<compile_context>
chip_gen: v7x
topology: tpu7x:2x2x1
jax: 0.10.2.dev20260603
libtpu: 0.0.44.dev20260713+nightly
codegen_flags: <defaults>
</compile_context>

<pallas_src>
import functools

import jax
import jax.numpy as jnp
from jax import lax
from jax.experimental import pallas as pl
from jax.experimental.pallas import tpu as pltpu
from jax.experimental.pallas import tpu_sc as plsc

NC = 2
NS = 16
NW = NC * NS
K = 128
L = 16


def _sc_mesh():
    return plsc.VectorSubcoreMesh(core_axis_name="c", subcore_axis_name="s")


@functools.lru_cache(maxsize=None)
def _make_deg_kernel(n_pad, n_chunks):
    rows_pt = n_pad // NS

    @functools.partial(
        pl.kernel,
        out_type=jax.ShapeDtypeStruct((NC, n_pad, L), jnp.float32),
        mesh=_sc_mesh(),
        scratch_types=[
            pltpu.VMEM((n_chunks, K), jnp.int32),
            pltpu.VMEM((K, L), jnp.float32),
            pltpu.VMEM_SHARED((n_pad, L), jnp.float32),
        ],
    )
    def deg_kernel(ei_hbm, out_hbm, dst_v, ones_v, acc_sh):
        cid = lax.axis_index("c")
        sid = lax.axis_index("s")
        wid = cid * NS + sid
        pltpu.sync_copy(ei_hbm.at[1, wid], dst_v)

        zvec = jnp.zeros((L,), jnp.float32)

        def zfill(i, _):
            ones_v[i, :] = zvec
            return 0

        lax.fori_loop(0, K, zfill, 0)

        def zacc(k_, _):
            pltpu.sync_copy(ones_v, acc_sh.at[pl.ds(sid * rows_pt + k_ * K, K)])
            return 0

        lax.fori_loop(0, rows_pt // K, zacc, 0)

        onevec = jnp.ones((L,), jnp.float32)

        def ofill(i, _):
            ones_v[i, :] = onevec
            return 0

        lax.fori_loop(0, K, ofill, 0)
        plsc.subcore_barrier()

        def body(j, _):
            pltpu.sync_copy(ones_v, acc_sh.at[dst_v.at[j]], add=True)
            return 0

        lax.fori_loop(0, n_chunks, body, 0)
        plsc.subcore_barrier()
        pltpu.sync_copy(
            acc_sh.at[pl.ds(sid * rows_pt, rows_pt)],
            out_hbm.at[cid, pl.ds(sid * rows_pt, rows_pt)],
        )

    return deg_kernel


@functools.lru_cache(maxsize=None)
def _make_scatter_kernel(n_pad, n_chunks, h):
    rows_pt = n_pad // NS
    nz = h // L

    @functools.partial(
        pl.kernel,
        out_type=jax.ShapeDtypeStruct((NC, n_pad, h), jnp.float32),
        mesh=_sc_mesh(),
        compiler_params=pltpu.CompilerParams(use_tc_tiling_on_sc=False),
        scratch_types=[
            pltpu.VMEM((n_chunks, K), jnp.int32),
            pltpu.VMEM((n_chunks, K), jnp.int32),
            pltpu.VMEM((2, K, h), jnp.float32),
            pltpu.VMEM_SHARED((n_pad, h), jnp.float32),
            pltpu.VMEM_SHARED((n_pad, h), jnp.float32),
        ] + [pltpu.SemaphoreType.DMA] * 4,
    )
    def scatter_kernel(xp_hbm, ei_hbm, out_hbm,
                       src_v, dst_v, rows2_v, acc_sh, table_sh, *sems):
        cid = lax.axis_index("c")
        sid = lax.axis_index("s")
        wid = cid * NS + sid
        pltpu.sync_copy(ei_hbm.at[0, wid], src_v)
        pltpu.sync_copy(ei_hbm.at[1, wid], dst_v)

        pltpu.sync_copy(
            xp_hbm.at[pl.ds(sid * rows_pt, rows_pt)],
            table_sh.at[pl.ds(sid * rows_pt, rows_pt)],
        )

        zvec = jnp.zeros((L,), jnp.float32)
        zbuf = rows2_v.at[0]

        def zfill(i, _):
            r = i // nz
            c = i - r * nz
            zbuf[r, pl.ds(c * L, L)] = zvec
            return 0

        lax.fori_loop(0, K * nz, zfill, 0)

        def zacc(k_, _):
            pltpu.sync_copy(zbuf, acc_sh.at[pl.ds(sid * rows_pt + k_ * K, K)])
            return 0

        lax.fori_loop(0, rows_pt // K, zacc, 0)
        plsc.subcore_barrier()

        bufs = (rows2_v.at[0], rows2_v.at[1])
        gsems = sems[:2]
        pltpu.async_copy(table_sh.at[src_v.at[0]], bufs[0], gsems[0])

        def body(g, _):
            for a in range(2):
                j = g * 2 + a
                b = 1 - a
                jn = j + 1

                @pl.when(jn < n_chunks)
                def _():
                    pltpu.async_copy(
                        table_sh.at[src_v.at[jn]], bufs[b], gsems[b])

                pltpu.make_async_copy(
                    table_sh.at[src_v.at[j]], bufs[a], gsems[a]).wait()
                pltpu.sync_copy(bufs[a], acc_sh.at[dst_v.at[j]], add=True)
            return 0

        lax.fori_loop(0, n_chunks // 2, body, 0)
        plsc.subcore_barrier()
        pltpu.sync_copy(
            acc_sh.at[pl.ds(sid * rows_pt, rows_pt)],
            out_hbm.at[cid, pl.ds(sid * rows_pt, rows_pt)],
        )

    return scatter_kernel


def _tc_call(body, out_shapes):
    return pl.pallas_call(
        body,
        out_shape=out_shapes,
    )


def _t0_body(x_ref, w1_ref, xw_ref):
    xw_ref[...] = jnp.dot(
        x_ref[...], w1_ref[...], preferred_element_type=jnp.float32)


def _t1_body(n, degp_ref, xw_ref, dis_ref, xp1_ref):
    deg = degp_ref[0, :n, 0:1] + degp_ref[1, :n, 0:1] + 1.0
    dis = lax.rsqrt(deg)
    dis_ref[...] = dis
    n_pad, h = xp1_ref.shape
    xp1_ref[...] = jnp.concatenate(
        [xw_ref[...] * dis, jnp.zeros((n_pad - n, h), jnp.float32)], axis=0)


def _t2_body(n, p_ref, xp_ref, dis_ref, b_ref, w_ref, out_ref):
    h = b_ref.shape[0]
    s = p_ref[0, :n, :] + p_ref[1, :n, :] + xp_ref[0:n, :]
    dis = dis_ref[...]
    hid = jnp.maximum(dis * s + b_ref[...].reshape(1, h), 0.0)
    xw = jnp.dot(hid, w_ref[...], preferred_element_type=jnp.float32)
    n_pad, h2 = out_ref.shape
    out_ref[...] = jnp.concatenate(
        [xw * dis, jnp.zeros((n_pad - n, h2), jnp.float32)], axis=0)


def _t3_body(n, p_ref, xp_ref, dis_ref, b_ref, w_ref, blin_ref, out_ref):
    h = b_ref.shape[0]
    d_out = blin_ref.shape[0]
    s = p_ref[0, :n, :] + p_ref[1, :n, :] + xp_ref[0:n, :]
    hid = jnp.maximum(dis_ref[...] * s + b_ref[...].reshape(1, h), 0.0)
    out_ref[...] = (
        jnp.dot(hid, w_ref[...], preferred_element_type=jnp.float32)
        + blin_ref[...].reshape(1, d_out)
    )


def kernel(x, edge_index, W1, b1, W2, b2, Wlin, blin):
    n = x.shape[0]
    e = edge_index.shape[1]
    h1 = W1.shape[1]
    h2 = W2.shape[1]
    d_out = Wlin.shape[1]

    chunk_edges = NW * K * 4
    e_pad = ((e + chunk_edges - 1) // chunk_edges) * chunk_edges
    n_chunks = e_pad // (NW * K)
    n_pad = ((n + 1 + NS * K - 1) // (NS * K)) * (NS * K)

    ei = jnp.pad(edge_index, ((0, 0), (0, e_pad - e)), constant_values=n)
    ei_slab = ei.reshape(2, NW, n_chunks, K).astype(jnp.int32)

    xw1 = _tc_call(
        _t0_body, jax.ShapeDtypeStruct((n, h1), jnp.float32))(x, W1)

    degp = _make_deg_kernel(n_pad, n_chunks)(ei_slab)

    dis, xp1 = _tc_call(
        functools.partial(_t1_body, n),
        (
            jax.ShapeDtypeStruct((n, 1), jnp.float32),
            jax.ShapeDtypeStruct((n_pad, h1), jnp.float32),
        ),
    )(degp, xw1)

    p1 = _make_scatter_kernel(n_pad, n_chunks, h1)(xp1, ei_slab)

    xp2 = _tc_call(
        functools.partial(_t2_body, n),
        jax.ShapeDtypeStruct((n_pad, h2), jnp.float32),
    )(p1, xp1, dis, b1, W2)

    p2 = _make_scatter_kernel(n_pad, n_chunks, h2)(xp2, ei_slab)

    out = _tc_call(
        functools.partial(_t3_body, n),
        jax.ShapeDtypeStruct((n, d_out), jnp.float32),
    )(p2, xp2, dis, b2, Wlin, blin)

    return out

# --- scband reference (transcript-rebuilt; emitter-appended) ---
"""Pipeline reference for scband-fae-gcn-77653008712166 (READ-ONLY COPY).

The authoritative reference and input builder live on the scoring server;
editing this copy changes nothing except your own understanding.
"""

import jax, jax.numpy as jnp
import numpy as np

N = 10000
E = 320000
D_IN = 128
H1 = 64
H2 = 32
D_OUT = 1


def gcn_conv(x, edge_index, W, b, n_nodes):
    # x: [N, d_in], edge_index: [2, E] (src, dst)
    src = edge_index[0]
    dst = edge_index[1]
    # add self loops (PyG GCNConv default)
    loop = jnp.arange(n_nodes, dtype=src.dtype)
    src = jnp.concatenate([src, loop], axis=0)
    dst = jnp.concatenate([dst, loop], axis=0)
    # linear transform
    xw = x @ W
    # symmetric normalization: deg computed from dst with unit edge weights
    deg = jnp.zeros((n_nodes,), dtype=xw.dtype).at[dst].add(1.0)
    deg_inv_sqrt = jnp.where(deg > 0, deg ** -0.5, 0.0)
    norm = deg_inv_sqrt[src] * deg_inv_sqrt[dst]
    # gather messages from src, scale, scatter-add to dst
    msgs = xw[src] * norm[:, None]
    out = jnp.zeros((n_nodes, xw.shape[1]), dtype=xw.dtype).at[dst].add(msgs)
    return out + b


def setup_inputs(seed: int = 0) -> dict:
    key = jax.random.key(seed)
    ks = jax.random.split(key, 8)
    x = jax.random.normal(ks[0], (N, D_IN), dtype=jnp.float32)
    edge_index = jax.random.randint(ks[1], (2, E), 0, N)
    W1 = jax.random.normal(ks[2], (D_IN, H1), dtype=jnp.float32) * (1.0 / np.sqrt(D_IN))
    b1 = jnp.zeros((H1,), dtype=jnp.float32)
    W2 = jax.random.normal(ks[3], (H1, H2), dtype=jnp.float32) * (1.0 / np.sqrt(H1))
    b2 = jnp.zeros((H2,), dtype=jnp.float32)
    Wlin = jax.random.normal(ks[4], (H2, D_OUT), dtype=jnp.float32) * (1.0 / np.sqrt(H2))
    blin = jnp.zeros((D_OUT,), dtype=jnp.float32)
    return {"x": x, "edge_index": edge_index, "W1": W1, "b1": b1, "W2": W2, "b2": b2, "Wlin": Wlin, "blin": blin}


def reference(x, edge_index, W1, b1, W2, b2, Wlin, blin):
    h = jax.nn.relu(gcn_conv(x, edge_index, W1, b1, N))
    h = jax.nn.relu(gcn_conv(h, edge_index, W2, b2, N))
    out = h @ Wlin + blin
    return out

if __name__ == "__main__":
    import jax
    _d = setup_inputs()
    print(jax.jit(kernel)(*tuple(_d.values())))

</pallas_src>

<mosaic_0001>
#map = affine_map<(d0, d1) -> (0, 0, 0, 0)>
#map1 = affine_map<(d0, d1) -> (0, 0, 0)>
module attributes {stable_mosaic.version = 14 : i64} {
  func.func @deg_kernel(%arg0: i32, %arg1: i32, %arg2: memref<2x32x80x128xi32, #tpu.memory_space<hbm>>, %arg3: memref<2x10240x16xf32, #tpu.memory_space<hbm>>, %arg4: memref<80x128xi32, #tpu.memory_space<vmem>>, %arg5: memref<128x16xf32, #tpu.memory_space<vmem>>, %arg6: memref<10240x16xf32, #tpu.memory_space<vmem_shared>>) attributes {dimension_semantics = [#tpu.dimension_semantics<core_parallel>, #tpu.dimension_semantics<subcore_parallel>], iteration_bounds = array<i64: 2, 16>, scalar_prefetch = 0 : i64, scratch_operands = 3 : i64, tpu.core_type = #tpu.core_type<sc_vector_subcore>, window_params = [{transform_indices = #map}, {transform_indices = #map1}]} {
    %mul3A = arith.constant 16 : i32
    %mul3A_0 = arith.muli %arg0, %mul3A : i32
    %add3A = arith.addi %mul3A_0, %arg1 : i32
    %run_scoped3A = arith.constant 1 : i32
    "tpu.region"() ({
      %run_scoped3A_36 = tpu.sem_alloc : memref<!tpu.dma_semaphore, #tpu.memory_space<semaphore_mem>>
      %dma_start3A = arith.constant 0 : i32
      %dma_start3A_37 = arith.constant 0 : i32
      %dma_start3A_38 = tpu.memref_slice %arg2[%run_scoped3A, %add3A, %dma_start3A, %dma_start3A_37] : memref<2x32x80x128xi32, #tpu.memory_space<hbm>> -> memref<1x1x80x128xi32, #tpu.memory_space<hbm>>
      %dma_start3A_39 = tpu.memref_squeeze %dma_start3A_38 : memref<1x1x80x128xi32, #tpu.memory_space<hbm>> -> memref<80x128xi32, #tpu.memory_space<hbm>>
      %dma_start3A_40 = arith.constant 0 : i32
      %dma_start3A_41 = arith.constant 0 : i32
      %dma_start3A_42 = tpu.memref_slice %arg2[%run_scoped3A, %add3A, %dma_start3A_40, %dma_start3A_41] : memref<2x32x80x128xi32, #tpu.memory_space<hbm>> -> memref<1x1x80x128xi32, #tpu.memory_space<hbm>>
      %dma_start3A_43 = tpu.memref_squeeze %dma_start3A_42 : memref<1x1x80x128xi32, #tpu.memory_space<hbm>> -> memref<80x128xi32, #tpu.memory_space<hbm>>
      tpu.enqueue_dma source(%dma_start3A_43 : memref<80x128xi32, #tpu.memory_space<hbm>>) target(%arg4 : memref<80x128xi32, #tpu.memory_space<vmem>>) target_semaphore(%run_scoped3A_36 : memref<!tpu.dma_semaphore, #tpu.memory_space<semaphore_mem>>)
      %dma_wait3A = arith.constant 0 : i32
      %dma_wait3A_44 = arith.constant 0 : i32
      %dma_wait3A_45 = tpu.memref_slice %arg2[%run_scoped3A, %add3A, %dma_wait3A, %dma_wait3A_44] : memref<2x32x80x128xi32, #tpu.memory_space<hbm>> -> memref<1x1x80x128xi32, #tpu.memory_space<hbm>>
      %dma_wait3A_46 = tpu.memref_squeeze %dma_wait3A_45 : memref<1x1x80x128xi32, #tpu.memory_space<hbm>> -> memref<80x128xi32, #tpu.memory_space<hbm>>
      %dma_wait3A_47 = arith.constant 0 : i32
      %dma_wait3A_48 = arith.constant 0 : i32
      %dma_wait3A_49 = tpu.memref_slice %arg2[%run_scoped3A, %add3A, %dma_wait3A_47, %dma_wait3A_48] : memref<2x32x80x128xi32, #tpu.memory_space<hbm>> -> memref<1x1x80x128xi32, #tpu.memory_space<hbm>>
      %dma_wait3A_50 = tpu.memref_squeeze %dma_wait3A_49 : memref<1x1x80x128xi32, #tpu.memory_space<hbm>> -> memref<80x128xi32, #tpu.memory_space<hbm>>
      tpu.wait_dma2 semaphore(%run_scoped3A_36 : memref<!tpu.dma_semaphore, #tpu.memory_space<semaphore_mem>>) src(%dma_wait3A_50 : memref<80x128xi32, #tpu.memory_space<hbm>>) dst(%arg4 : memref<80x128xi32, #tpu.memory_space<vmem>>)
      tpu.yield
    }) : () -> ()
    %broadcast_in_dim3A = arith.constant 0.000000e+00 : f32
    %broadcast_in_dim3A_1 = vector.broadcast %broadcast_in_dim3A : f32 to vector<16xf32>
    %scan3A = arith.constant 0 : i32
    %scan3A_2 = arith.constant 0 : i32
    %scan3A_3 = arith.constant 128 : i32
    %scan3A_4 = arith.addi %scan3A_2, %scan3A_3 : i32
    %scan3A_5 = arith.constant 1 : i32
    %scan3A_6 = scf.for %scan3A_36 = %scan3A_2 to %scan3A_4 step %scan3A_5 iter_args(%scan3A_37 = %scan3A) -> (i32)  : i32 {
      %swap3A = arith.index_cast %scan3A_36 : i32 to index
      %swap3A_38 = arith.constant 0 : index
      %swap3A_39 = tpu.vector_load %arg5[%swap3A, %swap3A_38] {strides = array<i32>} : memref<128x16xf32, #tpu.memory_space<vmem>>, vector<1x16xf32>,
      %swap3A_40 = vector.shape_cast %swap3A_39 : vector<1x16xf32> to vector<16xf32>
      %swap3A_41 = vector.shape_cast %broadcast_in_dim3A_1 : vector<16xf32> to vector<1x16xf32>
      tpu.vector_store %arg5[%swap3A, %swap3A_38], %swap3A_41 {strides = array<i32>} : memref<128x16xf32, #tpu.memory_space<vmem>>, vector<1x16xf32>,
      %scan3A_42 = arith.constant 0 : i32
      scf.yield %scan3A_42 : i32
    }
    %scan3A_7 = arith.constant 128 : i32
    %scan3A_8 = arith.constant 0 : i32
    %scan3A_9 = arith.constant 0 : i32
    %scan3A_10 = arith.constant 5 : i32
    %scan3A_11 = arith.addi %scan3A_9, %scan3A_10 : i32
    %scan3A_12 = arith.constant 1 : i32
    %scan3A_13 = scf.for %scan3A_36 = %scan3A_9 to %scan3A_11 step %scan3A_12 iter_args(%scan3A_37 = %scan3A_8) -> (i32)  : i32 {
      %mul3A_38 = arith.constant 640 : i32
      %mul3A_39 = arith.muli %arg1, %mul3A_38 : i32
      %mul3A_40 = arith.constant 128 : i32
      %mul3A_41 = arith.muli %scan3A_36, %mul3A_40 : i32
      %add3A_42 = arith.addi %mul3A_39, %mul3A_41 : i32
      "tpu.region"() ({
        %run_scoped3A_44 = tpu.sem_alloc : memref<!tpu.dma_semaphore, #tpu.memory_space<semaphore_mem>>
        %dma_start3A = arith.constant 0 : i32
        %dma_start3A_45 = tpu.memref_slice %arg6[%add3A_42, %dma_start3A] : memref<10240x16xf32, #tpu.memory_space<vmem_shared>> -> memref<128x16xf32, #tpu.memory_space<vmem_shared>>
        %dma_start3A_46 = arith.constant 0 : i32
        %dma_start3A_47 = tpu.memref_slice %arg6[%add3A_42, %dma_start3A_46] : memref<10240x16xf32, #tpu.memory_space<vmem_shared>> -> memref<128x16xf32, #tpu.memory_space<vmem_shared>>
        tpu.enqueue_dma source(%arg5 : memref<128x16xf32, #tpu.memory_space<vmem>>) target(%dma_start3A_47 : memref<128x16xf32, #tpu.memory_space<vmem_shared>>) target_semaphore(%run_scoped3A_44 : memref<!tpu.dma_semaphore, #tpu.memory_space<semaphore_mem>>)
        %dma_wait3A = arith.constant 0 : i32
        %dma_wait3A_48 = tpu.memref_slice %arg6[%add3A_42, %dma_wait3A] : memref<10240x16xf32, #tpu.memory_space<vmem_shared>> -> memref<128x16xf32, #tpu.memory_space<vmem_shared>>
        %dma_wait3A_49 = arith.constant 0 : i32
        %dma_wait3A_50 = tpu.memref_slice %arg6[%add3A_42, %dma_wait3A_49] : memref<10240x16xf32, #tpu.memory_space<vmem_shared>> -> memref<128x16xf32, #tpu.memory_space<vmem_shared>>
        tpu.wait_dma2 semaphore(%run_scoped3A_44 : memref<!tpu.dma_semaphore, #tpu.memory_space<semaphore_mem>>) src(%arg5 : memref<128x16xf32, #tpu.memory_space<vmem>>) dst(%dma_wait3A_50 : memref<128x16xf32, #tpu.memory_space<vmem_shared>>)
        tpu.yield
      }) : () -> ()
      %scan3A_43 = arith.constant 0 : i32
      scf.yield %scan3A_43 : i32
    }
    %scan3A_14 = arith.constant 5 : i32
    %broadcast_in_dim3A_15 = arith.constant 1.000000e+00 : f32
    %broadcast_in_dim3A_16 = vector.broadcast %broadcast_in_dim3A_15 : f32 to vector<16xf32>
    %scan3A_17 = arith.constant 0 : i32
    %scan3A_18 = arith.constant 0 : i32
    %scan3A_19 = arith.constant 128 : i32
    %scan3A_20 = arith.addi %scan3A_18, %scan3A_19 : i32
    %scan3A_21 = arith.constant 1 : i32
    %scan3A_22 = scf.for %scan3A_36 = %scan3A_18 to %scan3A_20 step %scan3A_21 iter_args(%scan3A_37 = %scan3A_17) -> (i32)  : i32 {
      %swap3A = arith.index_cast %scan3A_36 : i32 to index
      %swap3A_38 = arith.constant 0 : index
      %swap3A_39 = tpu.vector_load %arg5[%swap3A, %swap3A_38] {strides = array<i32>} : memref<128x16xf32, #tpu.memory_space<vmem>>, vector<1x16xf32>,
      %swap3A_40 = vector.shape_cast %swap3A_39 : vector<1x16xf32> to vector<16xf32>
      %swap3A_41 = vector.shape_cast %broadcast_in_dim3A_16 : vector<16xf32> to vector<1x16xf32>
      tpu.vector_store %arg5[%swap3A, %swap3A_38], %swap3A_41 {strides = array<i32>} : memref<128x16xf32, #tpu.memory_space<vmem>>, vector<1x16xf32>,
      %scan3A_42 = arith.constant 0 : i32
      scf.yield %scan3A_42 : i32
    }
    %scan3A_23 = arith.constant 128 : i32
    %barrier3A = arith.constant 0 : index
    tpu.barrier barrier_id(%barrier3A)
    %scan3A_24 = arith.constant 0 : i32
    %scan3A_25 = arith.constant 0 : i32
    %scan3A_26 = arith.constant 80 : i32
    %scan3A_27 = arith.addi %scan3A_25, %scan3A_26 : i32
    %scan3A_28 = arith.constant 1 : i32
    %scan3A_29 = scf.for %scan3A_36 = %scan3A_25 to %scan3A_27 step %scan3A_28 iter_args(%scan3A_37 = %scan3A_24) -> (i32)  : i32 {
      "tpu.region"() ({
        %run_scoped3A_39 = tpu.sem_alloc : memref<!tpu.dma_semaphore, #tpu.memory_space<semaphore_mem>>
        %dma_start3A = arith.constant 0 : i32
        %dma_start3A_40 = tpu.memref_slice %arg4[%scan3A_36, %dma_start3A] : memref<80x128xi32, #tpu.memory_space<vmem>> -> memref<1x128xi32, #tpu.memory_space<vmem>>
        %dma_start3A_41 = tpu.memref_squeeze %dma_start3A_40 : memref<1x128xi32, #tpu.memory_space<vmem>> -> memref<128xi32, #tpu.memory_space<vmem>>
        %dma_start3A_42 = arith.constant 0 : i32
        %dma_start3A_43 = arith.constant 0 : i32
        %dma_start3A_44 = tpu.memref_slice %arg6[%dma_start3A_42, %dma_start3A_43] : memref<10240x16xf32, #tpu.memory_space<vmem_shared>> -> memref<10240x16xf32, #tpu.memory_space<vmem_shared>>
        tpu.enqueue_indirect_dma source(%arg5 : memref<128x16xf32, #tpu.memory_space<vmem>>) target(%dma_start3A_44 : memref<10240x16xf32, #tpu.memory_space<vmem_shared>>) offsets(%dma_start3A_41 : memref<128xi32, #tpu.memory_space<vmem>>) semaphore(%run_scoped3A_39 : memref<!tpu.dma_semaphore, #tpu.memory_space<semaphore_mem>>) {add = true}
        %dma_wait3A = arith.constant 0 : i32
        %dma_wait3A_45 = tpu.memref_slice %arg4[%scan3A_36, %dma_wait3A] : memref<80x128xi32, #tpu.memory_space<vmem>> -> memref<1x128xi32, #tpu.memory_space<vmem>>
        %dma_wait3A_46 = tpu.memref_squeeze %dma_wait3A_45 : memref<1x128xi32, #tpu.memory_space<vmem>> -> memref<128xi32, #tpu.memory_space<vmem>>
        %dma_wait3A_47 = arith.constant 0 : i32
        %dma_wait3A_48 = arith.constant 0 : i32
        %dma_wait3A_49 = tpu.memref_slice %arg6[%dma_wait3A_47, %dma_wait3A_48] : memref<10240x16xf32, #tpu.memory_space<vmem_shared>> -> memref<10240x16xf32, #tpu.memory_space<vmem_shared>>
        tpu.wait_indirect_dma semaphore(%run_scoped3A_39 : memref<!tpu.dma_semaphore, #tpu.memory_space<semaphore_mem>>) src(%arg5 : memref<128x16xf32, #tpu.memory_space<vmem>>) dst(%dma_wait3A_49 : memref<10240x16xf32, #tpu.memory_space<vmem_shared>>)
        tpu.yield
      }) : () -> ()
      %scan3A_38 = arith.constant 0 : i32
      scf.yield %scan3A_38 : i32
    }
    %scan3A_30 = arith.constant 80 : i32
    %barrier3A_31 = arith.constant 0 : index
    tpu.barrier barrier_id(%barrier3A_31)
    %mul3A_32 = arith.constant 640 : i32
    %mul3A_33 = arith.muli %arg1, %mul3A_32 : i32
    %mul3A_34 = arith.constant 640 : i32
    %mul3A_35 = arith.muli %arg1, %mul3A_34 : i32
    "tpu.region"() ({
      %run_scoped3A_36 = tpu.sem_alloc : memref<!tpu.dma_semaphore, #tpu.memory_space<semaphore_mem>>
      %dma_start3A = arith.constant 0 : i32
      %dma_start3A_37 = tpu.memref_slice %arg3[%arg0, %mul3A_35, %dma_start3A] : memref<2x10240x16xf32, #tpu.memory_space<hbm>> -> memref<1x640x16xf32, #tpu.memory_space<hbm>>
      %dma_start3A_38 = tpu.memref_squeeze %dma_start3A_37 : memref<1x640x16xf32, #tpu.memory_space<hbm>> -> memref<640x16xf32, #tpu.memory_space<hbm>>
      %dma_start3A_39 = arith.constant 0 : i32
      %dma_start3A_40 = tpu.memref_slice %arg6[%mul3A_33, %dma_start3A_39] : memref<10240x16xf32, #tpu.memory_space<vmem_shared>> -> memref<640x16xf32, #tpu.memory_space<vmem_shared>>
      tpu.enqueue_dma source(%dma_start3A_40 : memref<640x16xf32, #tpu.memory_space<vmem_shared>>) target(%dma_start3A_38 : memref<640x16xf32, #tpu.memory_space<hbm>>) target_semaphore(%run_scoped3A_36 : memref<!tpu.dma_semaphore, #tpu.memory_space<semaphore_mem>>)
      %dma_wait3A = arith.constant 0 : i32
      %dma_wait3A_41 = tpu.memref_slice %arg3[%arg0, %mul3A_35, %dma_wait3A] : memref<2x10240x16xf32, #tpu.memory_space<hbm>> -> memref<1x640x16xf32, #tpu.memory_space<hbm>>
      %dma_wait3A_42 = tpu.memref_squeeze %dma_wait3A_41 : memref<1x640x16xf32, #tpu.memory_space<hbm>> -> memref<640x16xf32, #tpu.memory_space<hbm>>
      %dma_wait3A_43 = arith.constant 0 : i32
      %dma_wait3A_44 = tpu.memref_slice %arg6[%mul3A_33, %dma_wait3A_43] : memref<10240x16xf32, #tpu.memory_space<vmem_shared>> -> memref<640x16xf32, #tpu.memory_space<vmem_shared>>
      tpu.wait_dma2 semaphore(%run_scoped3A_36 : memref<!tpu.dma_semaphore, #tpu.memory_space<semaphore_mem>>) src(%dma_wait3A_44 : memref<640x16xf32, #tpu.memory_space<vmem_shared>>) dst(%dma_wait3A_42 : memref<640x16xf32, #tpu.memory_space<hbm>>)
      tpu.yield
    }) : () -> ()
    return
  }
}

#map = affine_map<(d0, d1) -> (0, 0)>
#map1 = affine_map<(d0, d1) -> (0, 0, 0, 0)>
#map2 = affine_map<(d0, d1) -> (0, 0, 0)>
module attributes {stable_mosaic.version = 14 : i64} {
  func.func @scatter_kernel(%arg0: i32, %arg1: i32, %arg2: memref<10240x64xf32, #tpu.memory_space<hbm>>, %arg3: memref<2x32x80x128xi32, #tpu.memory_space<hbm>>, %arg4: memref<2x10240x64xf32, #tpu.memory_space<hbm>>, %arg5: memref<80x128xi32, #tpu.memory_space<vmem>>, %arg6: memref<80x128xi32, #tpu.memory_space<vmem>>, %arg7: memref<2x128x64xf32, #tpu.memory_space<vmem>>, %arg8: memref<10240x64xf32, #tpu.memory_space<vmem_shared>>, %arg9: memref<10240x64xf32, #tpu.memory_space<vmem_shared>>, %arg10: memref<!tpu.dma_semaphore, #tpu.memory_space<semaphore_mem>>, %arg11: memref<!tpu.dma_semaphore, #tpu.memory_space<semaphore_mem>>, %arg12: memref<!tpu.dma_semaphore, #tpu.memory_space<semaphore_mem>>, %arg13: memref<!tpu.dma_semaphore, #tpu.memory_space<semaphore_mem>>) attributes {dimension_semantics = [#tpu.dimension_semantics<core_parallel>, #tpu.dimension_semantics<subcore_parallel>], iteration_bounds = array<i64: 2, 16>, scalar_prefetch = 0 : i64, scratch_operands = 9 : i64, tpu.core_type = #tpu.core_type<sc_vector_subcore>, window_params = [{transform_indices = #map}, {transform_indices = #map1}, {transform_indices = #map2}]} {
    %mul3A = arith.constant 16 : i32
    %mul3A_0 = arith.muli %arg0, %mul3A : i32
    %add3A = arith.addi %mul3A_0, %arg1 : i32
    %run_scoped3A = arith.constant 0 : i32
    "tpu.region"() ({
      %run_scoped3A_47 = tpu.sem_alloc : memref<!tpu.dma_semaphore, #tpu.memory_space<semaphore_mem>>
      %dma_start3A_48 = arith.constant 0 : i32
      %dma_start3A_49 = arith.constant 0 : i32
      %dma_start3A_50 = tpu.memref_slice %arg3[%run_scoped3A, %add3A, %dma_start3A_48, %dma_start3A_49] : memref<2x32x80x128xi32, #tpu.memory_space<hbm>> -> memref<1x1x80x128xi32, #tpu.memory_space<hbm>>
      %dma_start3A_51 = tpu.memref_squeeze %dma_start3A_50 : memref<1x1x80x128xi32, #tpu.memory_space<hbm>> -> memref<80x128xi32, #tpu.memory_space<hbm>>
      %dma_start3A_52 = arith.constant 0 : i32
      %dma_start3A_53 = arith.constant 0 : i32
      %dma_start3A_54 = tpu.memref_slice %arg3[%run_scoped3A, %add3A, %dma_start3A_52, %dma_start3A_53] : memref<2x32x80x128xi32, #tpu.memory_space<hbm>> -> memref<1x1x80x128xi32, #tpu.memory_space<hbm>>
      %dma_start3A_55 = tpu.memref_squeeze %dma_start3A_54 : memref<1x1x80x128xi32, #tpu.memory_space<hbm>> -> memref<80x128xi32, #tpu.memory_space<hbm>>
      tpu.enqueue_dma source(%dma_start3A_55 : memref<80x128xi32, #tpu.memory_space<hbm>>) target(%arg5 : memref<80x128xi32, #tpu.memory_space<vmem>>) target_semaphore(%run_scoped3A_47 : memref<!tpu.dma_semaphore, #tpu.memory_space<semaphore_mem>>)
      %dma_wait3A = arith.constant 0 : i32
      %dma_wait3A_56 = arith.constant 0 : i32
      %dma_wait3A_57 = tpu.memref_slice %arg3[%run_scoped3A, %add3A, %dma_wait3A, %dma_wait3A_56] : memref<2x32x80x128xi32, #tpu.memory_space<hbm>> -> memref<1x1x80x128xi32, #tpu.memory_space<hbm>>
      %dma_wait3A_58 = tpu.memref_squeeze %dma_wait3A_57 : memref<1x1x80x128xi32, #tpu.memory_space<hbm>> -> memref<80x128xi32, #tpu.memory_space<hbm>>
      %dma_wait3A_59 = arith.constant 0 : i32
      %dma_wait3A_60 = arith.constant 0 : i32
      %dma_wait3A_61 = tpu.memref_slice %arg3[%run_scoped3A, %add3A, %dma_wait3A_59, %dma_wait3A_60] : memref<2x32x80x128xi32, #tpu.memory_space<hbm>> -> memref<1x1x80x128xi32, #tpu.memory_space<hbm>>
      %dma_wait3A_62 = tpu.memref_squeeze %dma_wait3A_61 : memref<1x1x80x128xi32, #tpu.memory_space<hbm>> -> memref<80x128xi32, #tpu.memory_space<hbm>>
      tpu.wait_dma2 semaphore(%run_scoped3A_47 : memref<!tpu.dma_semaphore, #tpu.memory_space<semaphore_mem>>) src(%dma_wait3A_62 : memref<80x128xi32, #tpu.memory_space<hbm>>) dst(%arg5 : memref<80x128xi32, #tpu.memory_space<vmem>>)
      tpu.yield
    }) : () -> ()
    %run_scoped3A_1 = arith.constant 1 : i32
    "tpu.region"() ({
      %run_scoped3A_47 = tpu.sem_alloc : memref<!tpu.dma_semaphore, #tpu.memory_space<semaphore_mem>>
      %dma_start3A_48 = arith.constant 0 : i32
      %dma_start3A_49 = arith.constant 0 : i32
      %dma_start3A_50 = tpu.memref_slice %arg3[%run_scoped3A_1, %add3A, %dma_start3A_48, %dma_start3A_49] : memref<2x32x80x128xi32, #tpu.memory_space<hbm>> -> memref<1x1x80x128xi32, #tpu.memory_space<hbm>>
      %dma_start3A_51 = tpu.memref_squeeze %dma_start3A_50 : memref<1x1x80x128xi32, #tpu.memory_space<hbm>> -> memref<80x128xi32, #tpu.memory_space<hbm>>
      %dma_start3A_52 = arith.constant 0 : i32
      %dma_start3A_53 = arith.constant 0 : i32
      %dma_start3A_54 = tpu.memref_slice %arg3[%run_scoped3A_1, %add3A, %dma_start3A_52, %dma_start3A_53] : memref<2x32x80x128xi32, #tpu.memory_space<hbm>> -> memref<1x1x80x128xi32, #tpu.memory_space<hbm>>
      %dma_start3A_55 = tpu.memref_squeeze %dma_start3A_54 : memref<1x1x80x128xi32, #tpu.memory_space<hbm>> -> memref<80x128xi32, #tpu.memory_space<hbm>>
      tpu.enqueue_dma source(%dma_start3A_55 : memref<80x128xi32, #tpu.memory_space<hbm>>) target(%arg6 : memref<80x128xi32, #tpu.memory_space<vmem>>) target_semaphore(%run_scoped3A_47 : memref<!tpu.dma_semaphore, #tpu.memory_space<semaphore_mem>>)
      %dma_wait3A = arith.constant 0 : i32
      %dma_wait3A_56 = arith.constant 0 : i32
      %dma_wait3A_57 = tpu.memref_slice %arg3[%run_scoped3A_1, %add3A, %dma_wait3A, %dma_wait3A_56] : memref<2x32x80x128xi32, #tpu.memory_space<hbm>> -> memref<1x1x80x128xi32, #tpu.memory_space<hbm>>
      %dma_wait3A_58 = tpu.memref_squeeze %dma_wait3A_57 : memref<1x1x80x128xi32, #tpu.memory_space<hbm>> -> memref<80x128xi32, #tpu.memory_space<hbm>>
      %dma_wait3A_59 = arith.constant 0 : i32
      %dma_wait3A_60 = arith.constant 0 : i32
      %dma_wait3A_61 = tpu.memref_slice %arg3[%run_scoped3A_1, %add3A, %dma_wait3A_59, %dma_wait3A_60] : memref<2x32x80x128xi32, #tpu.memory_space<hbm>> -> memref<1x1x80x128xi32, #tpu.memory_space<hbm>>
      %dma_wait3A_62 = tpu.memref_squeeze %dma_wait3A_61 : memref<1x1x80x128xi32, #tpu.memory_space<hbm>> -> memref<80x128xi32, #tpu.memory_space<hbm>>
      tpu.wait_dma2 semaphore(%run_scoped3A_47 : memref<!tpu.dma_semaphore, #tpu.memory_space<semaphore_mem>>) src(%dma_wait3A_62 : memref<80x128xi32, #tpu.memory_space<hbm>>) dst(%arg6 : memref<80x128xi32, #tpu.memory_space<vmem>>)
      tpu.yield
    }) : () -> ()
    %mul3A_2 = arith.constant 640 : i32
    %mul3A_3 = arith.muli %arg1, %mul3A_2 : i32
    %mul3A_4 = arith.constant 640 : i32
    %mul3A_5 = arith.muli %arg1, %mul3A_4 : i32
    "tpu.region"() ({
      %run_scoped3A_47 = tpu.sem_alloc : memref<!tpu.dma_semaphore, #tpu.memory_space<semaphore_mem>>
      %dma_start3A_48 = arith.constant 0 : i32
      %dma_start3A_49 = tpu.memref_slice %arg9[%mul3A_5, %dma_start3A_48] : memref<10240x64xf32, #tpu.memory_space<vmem_shared>> -> memref<640x64xf32, #tpu.memory_space<vmem_shared>>
      %dma_start3A_50 = arith.constant 0 : i32
      %dma_start3A_51 = tpu.memref_slice %arg2[%mul3A_3, %dma_start3A_50] : memref<10240x64xf32, #tpu.memory_space<hbm>> -> memref<640x64xf32, #tpu.memory_space<hbm>>
      tpu.enqueue_dma source(%dma_start3A_51 : memref<640x64xf32, #tpu.memory_space<hbm>>) target(%dma_start3A_49 : memref<640x64xf32, #tpu.memory_space<vmem_shared>>) target_semaphore(%run_scoped3A_47 : memref<!tpu.dma_semaphore, #tpu.memory_space<semaphore_mem>>)
      %dma_wait3A = arith.constant 0 : i32
      %dma_wait3A_52 = tpu.memref_slice %arg9[%mul3A_5, %dma_wait3A] : memref<10240x64xf32, #tpu.memory_space<vmem_shared>> -> memref<640x64xf32, #tpu.memory_space<vmem_shared>>
      %dma_wait3A_53 = arith.constant 0 : i32
      %dma_wait3A_54 = tpu.memref_slice %arg2[%mul3A_3, %dma_wait3A_53] : memref<10240x64xf32, #tpu.memory_space<hbm>> -> memref<640x64xf32, #tpu.memory_space<hbm>>
      tpu.wait_dma2 semaphore(%run_scoped3A_47 : memref<!tpu.dma_semaphore, #tpu.memory_space<semaphore_mem>>) src(%dma_wait3A_54 : memref<640x64xf32, #tpu.memory_space<hbm>>) dst(%dma_wait3A_52 : memref<640x64xf32, #tpu.memory_space<vmem_shared>>)
      tpu.yield
    }) : () -> ()
    %broadcast_in_dim3A = arith.constant 0.000000e+00 : f32
    %broadcast_in_dim3A_6 = vector.broadcast %broadcast_in_dim3A : f32 to vector<16xf32>
    %scan3A = arith.constant 0 : i32
    %scan3A_7 = arith.constant 0 : i32
    %scan3A_8 = arith.constant 0 : i32
    %scan3A_9 = arith.constant 512 : i32
    %scan3A_10 = arith.addi %scan3A_8, %scan3A_9 : i32
    %scan3A_11 = arith.constant 1 : i32
    %scan3A_12 = scf.for %scan3A_47 = %scan3A_8 to %scan3A_10 step %scan3A_11 iter_args(%scan3A_48 = %scan3A_7) -> (i32)  : i32 {
      %jit3A = arith.constant 4 : i32
      %div3A = arith.divsi %scan3A_47, %jit3A : i32
      %sign3A = arith.constant 0 : i32
      %sign3A_49 = arith.cmpi sgt, %scan3A_47, %sign3A : i32
      %sign3A_50 = arith.extui %sign3A_49 : i1 to i32
      %sign3A_51 = arith.constant 0 : i32
      %sign3A_52 = arith.cmpi slt, %scan3A_47, %sign3A_51 : i32
      %sign3A_53 = arith.extui %sign3A_52 : i1 to i32
      %sign3A_54 = arith.subi %sign3A_50, %sign3A_53 : i32
      %sign3A_55 = arith.constant 0 : i32
      %sign3A_56 = arith.cmpi sgt, %jit3A, %sign3A_55 : i32
      %sign3A_57 = arith.extui %sign3A_56 : i1 to i32
      %sign3A_58 = arith.constant 0 : i32
      %sign3A_59 = arith.cmpi slt, %jit3A, %sign3A_58 : i32
      %sign3A_60 = arith.extui %sign3A_59 : i1 to i32
      %sign3A_61 = arith.subi %sign3A_57, %sign3A_60 : i32
      %ne3A = arith.cmpi ne, %sign3A_54, %sign3A_61 : i32
      %rem3A = arith.remsi %scan3A_47, %jit3A : i32
      %ne3A_62 = arith.constant 0 : i32
      %ne3A_63 = arith.cmpi ne, %rem3A, %ne3A_62 : i32
      %and3A = arith.andi %ne3A, %ne3A_63 : i1
      %sub3A = arith.constant 1 : i32
      %sub3A_64 = arith.subi %div3A, %sub3A : i32
      %select_n3A = arith.select %and3A, %sub3A_64, %div3A : i32
      %mul3A_65 = arith.constant 4 : i32
      %mul3A_66 = arith.muli %select_n3A, %mul3A_65 : i32
      %sub3A_67 = arith.subi %scan3A_47, %mul3A_66 : i32
      %mul3A_68 = arith.constant 16 : i32
      %mul3A_69 = arith.muli %sub3A_67, %mul3A_68 : i32
      %swap3A = arith.constant 0 : i32
      %swap3A_70 = arith.constant 0 : i32
      %swap3A_71 = tpu.memref_slice %arg7[%scan3A, %swap3A, %swap3A_70] : memref<2x128x64xf32, #tpu.memory_space<vmem>> -> memref<1x128x64xf32, #tpu.memory_space<vmem>>
      %swap3A_72 = tpu.memref_squeeze %swap3A_71 : memref<1x128x64xf32, #tpu.memory_space<vmem>> -> memref<128x64xf32, #tpu.memory_space<vmem>>
      %swap3A_73 = arith.index_cast %select_n3A : i32 to index
      %swap3A_74 = arith.index_cast %mul3A_69 : i32 to index
      %swap3A_75 = tpu.vector_load %swap3A_72[%swap3A_73, %swap3A_74] {strides = array<i32>} : memref<128x64xf32, #tpu.memory_space<vmem>>, vector<1x16xf32>,
      %swap3A_76 = vector.shape_cast %swap3A_75 : vector<1x16xf32> to vector<16xf32>
      %swap3A_77 = vector.shape_cast %broadcast_in_dim3A_6 : vector<16xf32> to vector<1x16xf32>
      tpu.vector_store %swap3A_72[%swap3A_73, %swap3A_74], %swap3A_77 {strides = array<i32>} : memref<128x64xf32, #tpu.memory_space<vmem>>, vector<1x16xf32>,
      %scan3A_78 = arith.constant 0 : i32
      scf.yield %scan3A_78 : i32
    }
    %scan3A_13 = arith.constant 512 : i32
    %scan3A_14 = arith.constant 0 : i32
    %scan3A_15 = arith.constant 0 : i32
    %scan3A_16 = arith.constant 0 : i32
    %scan3A_17 = arith.constant 5 : i32
    %scan3A_18 = arith.addi %scan3A_16, %scan3A_17 : i32
    %scan3A_19 = arith.constant 1 : i32
    %scan3A_20 = scf.for %scan3A_47 = %scan3A_16 to %scan3A_18 step %scan3A_19 iter_args(%scan3A_48 = %scan3A_15) -> (i32)  : i32 {
      %mul3A_49 = arith.constant 640 : i32
      %mul3A_50 = arith.muli %arg1, %mul3A_49 : i32
      %mul3A_51 = arith.constant 128 : i32
      %mul3A_52 = arith.muli %scan3A_47, %mul3A_51 : i32
      %add3A_53 = arith.addi %mul3A_50, %mul3A_52 : i32
      "tpu.region"() ({
        %run_scoped3A_55 = tpu.sem_alloc : memref<!tpu.dma_semaphore, #tpu.memory_space<semaphore_mem>>
        %dma_start3A_56 = arith.constant 0 : i32
        %dma_start3A_57 = arith.constant 0 : i32
        %dma_start3A_58 = tpu.memref_slice %arg7[%scan3A_14, %dma_start3A_56, %dma_start3A_57] : memref<2x128x64xf32, #tpu.memory_space<vmem>> -> memref<1x128x64xf32, #tpu.memory_space<vmem>>
        %dma_start3A_59 = tpu.memref_squeeze %dma_start3A_58 : memref<1x128x64xf32, #tpu.memory_space<vmem>> -> memref<128x64xf32, #tpu.memory_space<vmem>>
        %dma_start3A_60 = arith.constant 0 : i32
        %dma_start3A_61 = tpu.memref_slice %arg8[%add3A_53, %dma_start3A_60] : memref<10240x64xf32, #tpu.memory_space<vmem_shared>> -> memref<128x64xf32, #tpu.memory_space<vmem_shared>>
        %dma_start3A_62 = arith.constant 0 : i32
        %dma_start3A_63 = tpu.memref_slice %arg8[%add3A_53, %dma_start3A_62] : memref<10240x64xf32, #tpu.memory_space<vmem_shared>> -> memref<128x64xf32, #tpu.memory_space<vmem_shared>>
        %dma_start3A_64 = arith.constant 0 : i32
        %dma_start3A_65 = arith.constant 0 : i32
        %dma_start3A_66 = tpu.memref_slice %arg7[%scan3A_14, %dma_start3A_64, %dma_start3A_65] : memref<2x128x64xf32, #tpu.memory_space<vmem>> -> memref<1x128x64xf32, #tpu.memory_space<vmem>>
        %dma_start3A_67 = tpu.memref_squeeze %dma_start3A_66 : memref<1x128x64xf32, #tpu.memory_space<vmem>> -> memref<128x64xf32, #tpu.memory_space<vmem>>
        tpu.enqueue_dma source(%dma_start3A_67 : memref<128x64xf32, #tpu.memory_space<vmem>>) target(%dma_start3A_63 : memref<128x64xf32, #tpu.memory_space<vmem_shared>>) target_semaphore(%run_scoped3A_55 : memref<!tpu.dma_semaphore, #tpu.memory_space<semaphore_mem>>)
        %dma_wait3A = arith.constant 0 : i32
        %dma_wait3A_68 = arith.constant 0 : i32
        %dma_wait3A_69 = tpu.memref_slice %arg7[%scan3A_14, %dma_wait3A, %dma_wait3A_68] : memref<2x128x64xf32, #tpu.memory_space<vmem>> -> memref<1x128x64xf32, #tpu.memory_space<vmem>>
        %dma_wait3A_70 = tpu.memref_squeeze %dma_wait3A_69 : memref<1x128x64xf32, #tpu.memory_space<vmem>> -> memref<128x64xf32, #tpu.memory_space<vmem>>
        %dma_wait3A_71 = arith.constant 0 : i32
        %dma_wait3A_72 = tpu.memref_slice %arg8[%add3A_53, %dma_wait3A_71] : memref<10240x64xf32, #tpu.memory_space<vmem_shared>> -> memref<128x64xf32, #tpu.memory_space<vmem_shared>>
        %dma_wait3A_73 = arith.constant 0 : i32
        %dma_wait3A_74 = tpu.memref_slice %arg8[%add3A_53, %dma_wait3A_73] : memref<10240x64xf32, #tpu.memory_space<vmem_shared>> -> memref<128x64xf32, #tpu.memory_space<vmem_shared>>
        %dma_wait3A_75 = arith.constant 0 : i32
        %dma_wait3A_76 = arith.constant 0 : i32
        %dma_wait3A_77 = tpu.memref_slice %arg7[%scan3A_14, %dma_wait3A_75, %dma_wait3A_76] : memref<2x128x64xf32, #tpu.memory_space<vmem>> -> memref<1x128x64xf32, #tpu.memory_space<vmem>>
        %dma_wait3A_78 = tpu.memref_squeeze %dma_wait3A_77 : memref<1x128x64xf32, #tpu.memory_space<vmem>> -> memref<128x64xf32, #tpu.memory_space<vmem>>
        tpu.wait_dma2 semaphore(%run_scoped3A_55 : memref<!tpu.dma_semaphore, #tpu.memory_space<semaphore_mem>>) src(%dma_wait3A_78 : memref<128x64xf32, #tpu.memory_space<vmem>>) dst(%dma_wait3A_74 : memref<128x64xf32, #tpu.memory_space<vmem_shared>>)
        tpu.yield
      }) : () -> ()
      %scan3A_54 = arith.constant 0 : i32
      scf.yield %scan3A_54 : i32
    }
    %scan3A_21 = arith.constant 5 : i32
    %barrier3A = arith.constant 0 : index
    tpu.barrier barrier_id(%barrier3A)
    %dma_start3A = arith.constant 0 : i32
    %dma_start3A_22 = arith.constant 0 : i32
    %dma_start3A_23 = arith.constant 0 : i32
    %dma_start3A_24 = arith.constant 0 : i32
    %dma_start3A_25 = tpu.memref_slice %arg7[%dma_start3A_22, %dma_start3A_23, %dma_start3A_24] : memref<2x128x64xf32, #tpu.memory_space<vmem>> -> memref<1x128x64xf32, #tpu.memory_space<vmem>>
    %dma_start3A_26 = tpu.memref_squeeze %dma_start3A_25 : memref<1x128x64xf32, #tpu.memory_space<vmem>> -> memref<128x64xf32, #tpu.memory_space<vmem>>
    %dma_start3A_27 = arith.constant 0 : i32
    %dma_start3A_28 = tpu.memref_slice %arg5[%dma_start3A, %dma_start3A_27] : memref<80x128xi32, #tpu.memory_space<vmem>> -> memref<1x128xi32, #tpu.memory_space<vmem>>
    %dma_start3A_29 = tpu.memref_squeeze %dma_start3A_28 : memref<1x128xi32, #tpu.memory_space<vmem>> -> memref<128xi32, #tpu.memory_space<vmem>>
    %dma_start3A_30 = arith.constant 0 : i32
    %dma_start3A_31 = arith.constant 0 : i32
    %dma_start3A_32 = tpu.memref_slice %arg9[%dma_start3A_30, %dma_start3A_31] : memref<10240x64xf32, #tpu.memory_space<vmem_shared>> -> memref<10240x64xf32, #tpu.memory_space<vmem_shared>>
    tpu.enqueue_indirect_dma source(%dma_start3A_32 : memref<10240x64xf32, #tpu.memory_space<vmem_shared>>) target(%dma_start3A_26 : memref<128x64xf32, #tpu.memory_space<vmem>>) offsets(%dma_start3A_29 : memref<128xi32, #tpu.memory_space<vmem>>) semaphore(%arg10 : memref<!tpu.dma_semaphore, #tpu.memory_space<semaphore_mem>>)
    %scan3A_33 = arith.constant 1 : i32
    %scan3A_34 = arith.constant 0 : i32
    %scan3A_35 = arith.constant 0 : i32
    %scan3A_36 = arith.constant 0 : i32
    %scan3A_37 = arith.constant 40 : i32
    %scan3A_38 = arith.addi %scan3A_36, %scan3A_37 : i32
    %scan3A_39 = arith.constant 1 : i32
    %scan3A_40 = scf.for %scan3A_47 = %scan3A_36 to %scan3A_38 step %scan3A_39 iter_args(%scan3A_48 = %scan3A_35) -> (i32)  : i32 {
      %mul3A_49 = arith.constant 2 : i32
      %mul3A_50 = arith.muli %scan3A_47, %mul3A_49 : i32
      %add3A_51 = arith.constant 0 : i32
      %add3A_52 = arith.addi %mul3A_50, %add3A_51 : i32
      %add3A_53 = arith.constant 1 : i32
      %add3A_54 = arith.addi %add3A_52, %add3A_53 : i32
      %lt3A = arith.constant 80 : i32
      %lt3A_55 = arith.cmpi slt, %add3A_54, %lt3A : i32
      %convert_element_type3A = arith.extui %lt3A_55 : i1 to i32
      %cond3A = arith.constant 0 : i32
      %cond3A_56 = arith.cmpi ne, %convert_element_type3A, %cond3A : i32
      scf.if %cond3A_56 {
        %dma_start3A_88 = arith.constant 0 : i32
        %dma_start3A_89 = arith.constant 0 : i32
        %dma_start3A_90 = tpu.memref_slice %arg7[%scan3A_33, %dma_start3A_88, %dma_start3A_89] : memref<2x128x64xf32, #tpu.memory_space<vmem>> -> memref<1x128x64xf32, #tpu.memory_space<vmem>>
        %dma_start3A_91 = tpu.memref_squeeze %dma_start3A_90 : memref<1x128x64xf32, #tpu.memory_space<vmem>> -> memref<128x64xf32, #tpu.memory_space<vmem>>
        %dma_start3A_92 = arith.constant 0 : i32
        %dma_start3A_93 = tpu.memref_slice %arg5[%add3A_54, %dma_start3A_92] : memref<80x128xi32, #tpu.memory_space<vmem>> -> memref<1x128xi32, #tpu.memory_space<vmem>>
        %dma_start3A_94 = tpu.memref_squeeze %dma_start3A_93 : memref<1x128xi32, #tpu.memory_space<vmem>> -> memref<128xi32, #tpu.memory_space<vmem>>
        %dma_start3A_95 = arith.constant 0 : i32
        %dma_start3A_96 = arith.constant 0 : i32
        %dma_start3A_97 = tpu.memref_slice %arg9[%dma_start3A_95, %dma_start3A_96] : memref<10240x64xf32, #tpu.memory_space<vmem_shared>> -> memref<10240x64xf32, #tpu.memory_space<vmem_shared>>
        tpu.enqueue_indirect_dma source(%dma_start3A_97 : memref<10240x64xf32, #tpu.memory_space<vmem_shared>>) target(%dma_start3A_91 : memref<128x64xf32, #tpu.memory_space<vmem>>) offsets(%dma_start3A_94 : memref<128xi32, #tpu.memory_space<vmem>>) semaphore(%arg11 : memref<!tpu.dma_semaphore, #tpu.memory_space<semaphore_mem>>)
      } else {
      }
      %dma_wait3A = arith.constant 0 : i32
      %dma_wait3A_57 = arith.constant 0 : i32
      %dma_wait3A_58 = tpu.memref_slice %arg7[%scan3A_34, %dma_wait3A, %dma_wait3A_57] : memref<2x128x64xf32, #tpu.memory_space<vmem>> -> memref<1x128x64xf32, #tpu.memory_space<vmem>>
      %dma_wait3A_59 = tpu.memref_squeeze %dma_wait3A_58 : memref<1x128x64xf32, #tpu.memory_space<vmem>> -> memref<128x64xf32, #tpu.memory_space<vmem>>
      %dma_wait3A_60 = arith.constant 0 : i32
      %dma_wait3A_61 = tpu.memref_slice %arg5[%add3A_52, %dma_wait3A_60] : memref<80x128xi32, #tpu.memory_space<vmem>> -> memref<1x128xi32, #tpu.memory_space<vmem>>
      %dma_wait3A_62 = tpu.memref_squeeze %dma_wait3A_61 : memref<1x128xi32, #tpu.memory_space<vmem>> -> memref<128xi32, #tpu.memory_space<vmem>>
      %dma_wait3A_63 = arith.constant 0 : i32
      %dma_wait3A_64 = arith.constant 0 : i32
      %dma_wait3A_65 = tpu.memref_slice %arg9[%dma_wait3A_63, %dma_wait3A_64] : memref<10240x64xf32, #tpu.memory_space<vmem_shared>> -> memref<10240x64xf32, #tpu.memory_space<vmem_shared>>
      tpu.wait_indirect_dma semaphore(%arg10 : memref<!tpu.dma_semaphore, #tpu.memory_space<semaphore_mem>>) src(%dma_wait3A_65 : memref<10240x64xf32, #tpu.memory_space<vmem_shared>>) dst(%dma_wait3A_59 : memref<128x64xf32, #tpu.memory_space<vmem>>)
      "tpu.region"() ({
        %run_scoped3A_88 = tpu.sem_alloc : memref<!tpu.dma_semaphore, #tpu.memory_space<semaphore_mem>>
        %dma_start3A_89 = arith.constant 0 : i32
        %dma_start3A_90 = arith.constant 0 : i32
        %dma_start3A_91 = tpu.memref_slice %arg7[%scan3A_34, %dma_start3A_89, %dma_start3A_90] : memref<2x128x64xf32, #tpu.memory_space<vmem>> -> memref<1x128x64xf32, #tpu.memory_space<vmem>>
        %dma_start3A_92 = tpu.memref_squeeze %dma_start3A_91 : memref<1x128x64xf32, #tpu.memory_space<vmem>> -> memref<128x64xf32, #tpu.memory_space<vmem>>
        %dma_start3A_93 = arith.constant 0 : i32
        %dma_start3A_94 = tpu.memref_slice %arg6[%add3A_52, %dma_start3A_93] : memref<80x128xi32, #tpu.memory_space<vmem>> -> memref<1x128xi32, #tpu.memory_space<vmem>>
        %dma_start3A_95 = tpu.memref_squeeze %dma_start3A_94 : memref<1x128xi32, #tpu.memory_space<vmem>> -> memref<128xi32, #tpu.memory_space<vmem>>
        %dma_start3A_96 = arith.constant 0 : i32
        %dma_start3A_97 = arith.constant 0 : i32
        %dma_start3A_98 = tpu.memref_slice %arg8[%dma_start3A_96, %dma_start3A_97] : memref<10240x64xf32, #tpu.memory_space<vmem_shared>> -> memref<10240x64xf32, #tpu.memory_space<vmem_shared>>
        tpu.enqueue_indirect_dma source(%dma_start3A_92 : memref<128x64xf32, #tpu.memory_space<vmem>>) target(%dma_start3A_98 : memref<10240x64xf32, #tpu.memory_space<vmem_shared>>) offsets(%dma_start3A_95 : memref<128xi32, #tpu.memory_space<vmem>>) semaphore(%run_scoped3A_88 : memref<!tpu.dma_semaphore, #tpu.memory_space<semaphore_mem>>) {add = true}
        %dma_wait3A_99 = arith.constant 0 : i32
        %dma_wait3A_100 = arith.constant 0 : i32
        %dma_wait3A_101 = tpu.memref_slice %arg7[%scan3A_34, %dma_wait3A_99, %dma_wait3A_100] : memref<2x128x64xf32, #tpu.memory_space<vmem>> -> memref<1x128x64xf32, #tpu.memory_space<vmem>>
        %dma_wait3A_102 = tpu.memref_squeeze %dma_wait3A_101 : memref<1x128x64xf32, #tpu.memory_space<vmem>> -> memref<128x64xf32, #tpu.memory_space<vmem>>
        %dma_wait3A_103 = arith.constant 0 : i32
        %dma_wait3A_104 = tpu.memref_slice %arg6[%add3A_52, %dma_wait3A_103] : memref<80x128xi32, #tpu.memory_space<vmem>> -> memref<1x128xi32, #tpu.memory_space<vmem>>
        %dma_wait3A_105 = tpu.memref_squeeze %dma_wait3A_104 : memref<1x128xi32, #tpu.memory_space<vmem>> -> memref<128xi32, #tpu.memory_space<vmem>>
        %dma_wait3A_106 = arith.constant 0 : i32
        %dma_wait3A_107 = arith.constant 0 : i32
        %dma_wait3A_108 = tpu.memref_slice %arg8[%dma_wait3A_106, %dma_wait3A_107] : memref<10240x64xf32, #tpu.memory_space<vmem_shared>> -> memref<10240x64xf32, #tpu.memory_space<vmem_shared>>
        tpu.wait_indirect_dma semaphore(%run_scoped3A_88 : memref<!tpu.dma_semaphore, #tpu.memory_space<semaphore_mem>>) src(%dma_wait3A_102 : memref<128x64xf32, #tpu.memory_space<vmem>>) dst(%dma_wait3A_108 : memref<10240x64xf32, #tpu.memory_space<vmem_shared>>)
        tpu.yield
      }) : () -> ()
      %mul3A_66 = arith.constant 2 : i32
      %mul3A_67 = arith.muli %scan3A_47, %mul3A_66 : i32
      %add3A_68 = arith.constant 1 : i32
      %add3A_69 = arith.addi %mul3A_67, %add3A_68 : i32
      %add3A_70 = arith.constant 1 : i32
      %add3A_71 = arith.addi %add3A_69, %add3A_70 : i32
      %lt3A_72 = arith.constant 80 : i32
      %lt3A_73 = arith.cmpi slt, %add3A_71, %lt3A_72 : i32
      %convert_element_type3A_74 = arith.extui %lt3A_73 : i1 to i32
      %cond3A_75 = arith.constant 0 : i32
      %cond3A_76 = arith.cmpi ne, %convert_element_type3A_74, %cond3A_75 : i32
      scf.if %cond3A_76 {
        %dma_start3A_88 = arith.constant 0 : i32
        %dma_start3A_89 = arith.constant 0 : i32
        %dma_start3A_90 = tpu.memref_slice %arg7[%scan3A_34, %dma_start3A_88, %dma_start3A_89] : memref<2x128x64xf32, #tpu.memory_space<vmem>> -> memref<1x128x64xf32, #tpu.memory_space<vmem>>
        %dma_start3A_91 = tpu.memref_squeeze %dma_start3A_90 : memref<1x128x64xf32, #tpu.memory_space<vmem>> -> memref<128x64xf32, #tpu.memory_space<vmem>>
        %dma_start3A_92 = arith.constant 0 : i32
        %dma_start3A_93 = tpu.memref_slice %arg5[%add3A_71, %dma_start3A_92] : memref<80x128xi32, #tpu.memory_space<vmem>> -> memref<1x128xi32, #tpu.memory_space<vmem>>
        %dma_start3A_94 = tpu.memref_squeeze %dma_start3A_93 : memref<1x128xi32, #tpu.memory_space<vmem>> -> memref<128xi32, #tpu.memory_space<vmem>>
        %dma_start3A_95 = arith.constant 0 : i32
        %dma_start3A_96 = arith.constant 0 : i32
        %dma_start3A_97 = tpu.memref_slice %arg9[%dma_start3A_95, %dma_start3A_96] : memref<10240x64xf32, #tpu.memory_space<vmem_shared>> -> memref<10240x64xf32, #tpu.memory_space<vmem_shared>>
        tpu.enqueue_indirect_dma source(%dma_start3A_97 : memref<10240x64xf32, #tpu.memory_space<vmem_shared>>) target(%dma_start3A_91 : memref<128x64xf32, #tpu.memory_space<vmem>>) offsets(%dma_start3A_94 : memref<128xi32, #tpu.memory_space<vmem>>) semaphore(%arg10 : memref<!tpu.dma_semaphore, #tpu.memory_space<semaphore_mem>>)
      } else {
      }
      %dma_wait3A_77 = arith.constant 0 : i32
      %dma_wait3A_78 = arith.constant 0 : i32
      %dma_wait3A_79 = tpu.memref_slice %arg7[%scan3A_33, %dma_wait3A_77, %dma_wait3A_78] : memref<2x128x64xf32, #tpu.memory_space<vmem>> -> memref<1x128x64xf32, #tpu.memory_space<vmem>>
      %dma_wait3A_80 = tpu.memref_squeeze %dma_wait3A_79 : memref<1x128x64xf32, #tpu.memory_space<vmem>> -> memref<128x64xf32, #tpu.memory_space<vmem>>
      %dma_wait3A_81 = arith.constant 0 : i32
      %dma_wait3A_82 = tpu.memref_slice %arg5[%add3A_69, %dma_wait3A_81] : memref<80x128xi32, #tpu.memory_space<vmem>> -> memref<1x128xi32, #tpu.memory_space<vmem>>
      %dma_wait3A_83 = tpu.memref_squeeze %dma_wait3A_82 : memref<1x128xi32, #tpu.memory_space<vmem>> -> memref<128xi32, #tpu.memory_space<vmem>>
      %dma_wait3A_84 = arith.constant 0 : i32
      %dma_wait3A_85 = arith.constant 0 : i32
      %dma_wait3A_86 = tpu.memref_slice %arg9[%dma_wait3A_84, %dma_wait3A_85] : memref<10240x64xf32, #tpu.memory_space<vmem_shared>> -> memref<10240x64xf32, #tpu.memory_space<vmem_shared>>
      tpu.wait_indirect_dma semaphore(%arg11 : memref<!tpu.dma_semaphore, #tpu.memory_space<semaphore_mem>>) src(%dma_wait3A_86 : memref<10240x64xf32, #tpu.memory_space<vmem_shared>>) dst(%dma_wait3A_80 : memref<128x64xf32, #tpu.memory_space<vmem>>)
      "tpu.region"() ({
        %run_scoped3A_88 = tpu.sem_alloc : memref<!tpu.dma_semaphore, #tpu.memory_space<semaphore_mem>>
        %dma_start3A_89 = arith.constant 0 : i32
        %dma_start3A_90 = arith.constant 0 : i32
        %dma_start3A_91 = tpu.memref_slice %arg7[%scan3A_33, %dma_start3A_89, %dma_start3A_90] : memref<2x128x64xf32, #tpu.memory_space<vmem>> -> memref<1x128x64xf32, #tpu.memory_space<vmem>>
        %dma_start3A_92 = tpu.memref_squeeze %dma_start3A_91 : memref<1x128x64xf32, #tpu.memory_space<vmem>> -> memref<128x64xf32, #tpu.memory_space<vmem>>
        %dma_start3A_93 = arith.constant 0 : i32
        %dma_start3A_94 = tpu.memref_slice %arg6[%add3A_69, %dma_start3A_93] : memref<80x128xi32, #tpu.memory_space<vmem>> -> memref<1x128xi32, #tpu.memory_space<vmem>>
        %dma_start3A_95 = tpu.memref_squeeze %dma_start3A_94 : memref<1x128xi32, #tpu.memory_space<vmem>> -> memref<128xi32, #tpu.memory_space<vmem>>
        %dma_start3A_96 = arith.constant 0 : i32
        %dma_start3A_97 = arith.constant 0 : i32
        %dma_start3A_98 = tpu.memref_slice %arg8[%dma_start3A_96, %dma_start3A_97] : memref<10240x64xf32, #tpu.memory_space<vmem_shared>> -> memref<10240x64xf32, #tpu.memory_space<vmem_shared>>
        tpu.enqueue_indirect_dma source(%dma_start3A_92 : memref<128x64xf32, #tpu.memory_space<vmem>>) target(%dma_start3A_98 : memref<10240x64xf32, #tpu.memory_space<vmem_shared>>) offsets(%dma_start3A_95 : memref<128xi32, #tpu.memory_space<vmem>>) semaphore(%run_scoped3A_88 : memref<!tpu.dma_semaphore, #tpu.memory_space<semaphore_mem>>) {add = true}
        %dma_wait3A_99 = arith.constant 0 : i32
        %dma_wait3A_100 = arith.constant 0 : i32
        %dma_wait3A_101 = tpu.memref_slice %arg7[%scan3A_33, %dma_wait3A_99, %dma_wait3A_100] : memref<2x128x64xf32, #tpu.memory_space<vmem>> -> memref<1x128x64xf32, #tpu.memory_space<vmem>>
        %dma_wait3A_102 = tpu.memref_squeeze %dma_wait3A_101 : memref<1x128x64xf32, #tpu.memory_space<vmem>> -> memref<128x64xf32, #tpu.memory_space<vmem>>
        %dma_wait3A_103 = arith.constant 0 : i32
        %dma_wait3A_104 = tpu.memref_slice %arg6[%add3A_69, %dma_wait3A_103] : memref<80x128xi32, #tpu.memory_space<vmem>> -> memref<1x128xi32, #tpu.memory_space<vmem>>
        %dma_wait3A_105 = tpu.memref_squeeze %dma_wait3A_104 : memref<1x128xi32, #tpu.memory_space<vmem>> -> memref<128xi32, #tpu.memory_space<vmem>>
        %dma_wait3A_106 = arith.constant 0 : i32
        %dma_wait3A_107 = arith.constant 0 : i32
        %dma_wait3A_108 = tpu.memref_slice %arg8[%dma_wait3A_106, %dma_wait3A_107] : memref<10240x64xf32, #tpu.memory_space<vmem_shared>> -> memref<10240x64xf32, #tpu.memory_space<vmem_shared>>
        tpu.wait_indirect_dma semaphore(%run_scoped3A_88 : memref<!tpu.dma_semaphore, #tpu.memory_space<semaphore_mem>>) src(%dma_wait3A_102 : memref<128x64xf32, #tpu.memory_space<vmem>>) dst(%dma_wait3A_108 : memref<10240x64xf32, #tpu.memory_space<vmem_shared>>)
        tpu.yield
      }) : () -> ()
      %scan3A_87 = arith.constant 0 : i32
      scf.yield %scan3A_87 : i32
    }
    %scan3A_41 = arith.constant 40 : i32
    %barrier3A_42 = arith.constant 0 : index
    tpu.barrier barrier_id(%barrier3A_42)
    %mul3A_43 = arith.constant 640 : i32
    %mul3A_44 = arith.muli %arg1, %mul3A_43 : i32
    %mul3A_45 = arith.constant 640 : i32
    %mul3A_46 = arith.muli %arg1, %mul3A_45 : i32
    "tpu.region"() ({
      %run_scoped3A_47 = tpu.sem_alloc : memref<!tpu.dma_semaphore, #tpu.memory_space<semaphore_mem>>
      %dma_start3A_48 = arith.constant 0 : i32
      %dma_start3A_49 = tpu.memref_slice %arg4[%arg0, %mul3A_46, %dma_start3A_48] : memref<2x10240x64xf32, #tpu.memory_space<hbm>> -> memref<1x640x64xf32, #tpu.memory_space<hbm>>
      %dma_start3A_50 = tpu.memref_squeeze %dma_start3A_49 : memref<1x640x64xf32, #tpu.memory_space<hbm>> -> memref<640x64xf32, #tpu.memory_space<hbm>>
      %dma_start3A_51 = arith.constant 0 : i32
      %dma_start3A_52 = tpu.memref_slice %arg8[%mul3A_44, %dma_start3A_51] : memref<10240x64xf32, #tpu.memory_space<vmem_shared>> -> memref<640x64xf32, #tpu.memory_space<vmem_shared>>
      tpu.enqueue_dma source(%dma_start3A_52 : memref<640x64xf32, #tpu.memory_space<vmem_shared>>) target(%dma_start3A_50 : memref<640x64xf32, #tpu.memory_space<hbm>>) target_semaphore(%run_scoped3A_47 : memref<!tpu.dma_semaphore, #tpu.memory_space<semaphore_mem>>)
      %dma_wait3A = arith.constant 0 : i32
      %dma_wait3A_53 = tpu.memref_slice %arg4[%arg0, %mul3A_46, %dma_wait3A] : memref<2x10240x64xf32, #tpu.memory_space<hbm>> -> memref<1x640x64xf32, #tpu.memory_space<hbm>>
      %dma_wait3A_54 = tpu.memref_squeeze %dma_wait3A_53 : memref<1x640x64xf32, #tpu.memory_space<hbm>> -> memref<640x64xf32, #tpu.memory_space<hbm>>
      %dma_wait3A_55 = arith.constant 0 : i32
      %dma_wait3A_56 = tpu.memref_slice %arg8[%mul3A_44, %dma_wait3A_55] : memref<10240x64xf32, #tpu.memory_space<vmem_shared>> -> memref<640x64xf32, #tpu.memory_space<vmem_shared>>
      tpu.wait_dma2 semaphore(%run_scoped3A_47 : memref<!tpu.dma_semaphore, #tpu.memory_space<semaphore_mem>>) src(%dma_wait3A_56 : memref<640x64xf32, #tpu.memory_space<vmem_shared>>) dst(%dma_wait3A_54 : memref<640x64xf32, #tpu.memory_space<hbm>>)
      tpu.yield
    }) : () -> ()
    return
  }
}

#map = affine_map<(d0, d1) -> (0, 0)>
#map1 = affine_map<(d0, d1) -> (0, 0, 0, 0)>
#map2 = affine_map<(d0, d1) -> (0, 0, 0)>
module attributes {stable_mosaic.version = 14 : i64} {
  func.func @scatter_kernel(%arg0: i32, %arg1: i32, %arg2: memref<10240x32xf32, #tpu.memory_space<hbm>>, %arg3: memref<2x32x80x128xi32, #tpu.memory_space<hbm>>, %arg4: memref<2x10240x32xf32, #tpu.memory_space<hbm>>, %arg5: memref<80x128xi32, #tpu.memory_space<vmem>>, %arg6: memref<80x128xi32, #tpu.memory_space<vmem>>, %arg7: memref<2x128x32xf32, #tpu.memory_space<vmem>>, %arg8: memref<10240x32xf32, #tpu.memory_space<vmem_shared>>, %arg9: memref<10240x32xf32, #tpu.memory_space<vmem_shared>>, %arg10: memref<!tpu.dma_semaphore, #tpu.memory_space<semaphore_mem>>, %arg11: memref<!tpu.dma_semaphore, #tpu.memory_space<semaphore_mem>>, %arg12: memref<!tpu.dma_semaphore, #tpu.memory_space<semaphore_mem>>, %arg13: memref<!tpu.dma_semaphore, #tpu.memory_space<semaphore_mem>>) attributes {dimension_semantics = [#tpu.dimension_semantics<core_parallel>, #tpu.dimension_semantics<subcore_parallel>], iteration_bounds = array<i64: 2, 16>, scalar_prefetch = 0 : i64, scratch_operands = 9 : i64, tpu.core_type = #tpu.core_type<sc_vector_subcore>, window_params = [{transform_indices = #map}, {transform_indices = #map1}, {transform_indices = #map2}]} {
    %mul3A = arith.constant 16 : i32
    %mul3A_0 = arith.muli %arg0, %mul3A : i32
    %add3A = arith.addi %mul3A_0, %arg1 : i32
    %run_scoped3A = arith.constant 0 : i32
    "tpu.region"() ({
      %run_scoped3A_47 = tpu.sem_alloc : memref<!tpu.dma_semaphore, #tpu.memory_space<semaphore_mem>>
      %dma_start3A_48 = arith.constant 0 : i32
      %dma_start3A_49 = arith.constant 0 : i32
      %dma_start3A_50 = tpu.memref_slice %arg3[%run_scoped3A, %add3A, %dma_start3A_48, %dma_start3A_49] : memref<2x32x80x128xi32, #tpu.memory_space<hbm>> -> memref<1x1x80x128xi32, #tpu.memory_space<hbm>>
      %dma_start3A_51 = tpu.memref_squeeze %dma_start3A_50 : memref<1x1x80x128xi32, #tpu.memory_space<hbm>> -> memref<80x128xi32, #tpu.memory_space<hbm>>
      %dma_start3A_52 = arith.constant 0 : i32
      %dma_start3A_53 = arith.constant 0 : i32
      %dma_start3A_54 = tpu.memref_slice %arg3[%run_scoped3A, %add3A, %dma_start3A_52, %dma_start3A_53] : memref<2x32x80x128xi32, #tpu.memory_space<hbm>> -> memref<1x1x80x128xi32, #tpu.memory_space<hbm>>
      %dma_start3A_55 = tpu.memref_squeeze %dma_start3A_54 : memref<1x1x80x128xi32, #tpu.memory_space<hbm>> -> memref<80x128xi32, #tpu.memory_space<hbm>>
      tpu.enqueue_dma source(%dma_start3A_55 : memref<80x128xi32, #tpu.memory_space<hbm>>) target(%arg5 : memref<80x128xi32, #tpu.memory_space<vmem>>) target_semaphore(%run_scoped3A_47 : memref<!tpu.dma_semaphore, #tpu.memory_space<semaphore_mem>>)
      %dma_wait3A = arith.constant 0 : i32
      %dma_wait3A_56 = arith.constant 0 : i32
      %dma_wait3A_57 = tpu.memref_slice %arg3[%run_scoped3A, %add3A, %dma_wait3A, %dma_wait3A_56] : memref<2x32x80x128xi32, #tpu.memory_space<hbm>> -> memref<1x1x80x128xi32, #tpu.memory_space<hbm>>
      %dma_wait3A_58 = tpu.memref_squeeze %dma_wait3A_57 : memref<1x1x80x128xi32, #tpu.memory_space<hbm>> -> memref<80x128xi32, #tpu.memory_space<hbm>>
      %dma_wait3A_59 = arith.constant 0 : i32
      %dma_wait3A_60 = arith.constant 0 : i32
      %dma_wait3A_61 = tpu.memref_slice %arg3[%run_scoped3A, %add3A, %dma_wait3A_59, %dma_wait3A_60] : memref<2x32x80x128xi32, #tpu.memory_space<hbm>> -> memref<1x1x80x128xi32, #tpu.memory_space<hbm>>
      %dma_wait3A_62 = tpu.memref_squeeze %dma_wait3A_61 : memref<1x1x80x128xi32, #tpu.memory_space<hbm>> -> memref<80x128xi32, #tpu.memory_space<hbm>>
      tpu.wait_dma2 semaphore(%run_scoped3A_47 : memref<!tpu.dma_semaphore, #tpu.memory_space<semaphore_mem>>) src(%dma_wait3A_62 : memref<80x128xi32, #tpu.memory_space<hbm>>) dst(%arg5 : memref<80x128xi32, #tpu.memory_space<vmem>>)
      tpu.yield
    }) : () -> ()
    %run_scoped3A_1 = arith.constant 1 : i32
    "tpu.region"() ({
      %run_scoped3A_47 = tpu.sem_alloc : memref<!tpu.dma_semaphore, #tpu.memory_space<semaphore_mem>>
      %dma_start3A_48 = arith.constant 0 : i32
      %dma_start3A_49 = arith.constant 0 : i32
      %dma_start3A_50 = tpu.memref_slice %arg3[%run_scoped3A_1, %add3A, %dma_start3A_48, %dma_start3A_49] : memref<2x32x80x128xi32, #tpu.memory_space<hbm>> -> memref<1x1x80x128xi32, #tpu.memory_space<hbm>>
      %dma_start3A_51 = tpu.memref_squeeze %dma_start3A_50 : memref<1x1x80x128xi32, #tpu.memory_space<hbm>> -> memref<80x128xi32, #tpu.memory_space<hbm>>
      %dma_start3A_52 = arith.constant 0 : i32
      %dma_start3A_53 = arith.constant 0 : i32
      %dma_start3A_54 = tpu.memref_slice %arg3[%run_scoped3A_1, %add3A, %dma_start3A_52, %dma_start3A_53] : memref<2x32x80x128xi32, #tpu.memory_space<hbm>> -> memref<1x1x80x128xi32, #tpu.memory_space<hbm>>
      %dma_start3A_55 = tpu.memref_squeeze %dma_start3A_54 : memref<1x1x80x128xi32, #tpu.memory_space<hbm>> -> memref<80x128xi32, #tpu.memory_space<hbm>>
      tpu.enqueue_dma source(%dma_start3A_55 : memref<80x128xi32, #tpu.memory_space<hbm>>) target(%arg6 : memref<80x128xi32, #tpu.memory_space<vmem>>) target_semaphore(%run_scoped3A_47 : memref<!tpu.dma_semaphore, #tpu.memory_space<semaphore_mem>>)
      %dma_wait3A = arith.constant 0 : i32
      %dma_wait3A_56 = arith.constant 0 : i32
      %dma_wait3A_57 = tpu.memref_slice %arg3[%run_scoped3A_1, %add3A, %dma_wait3A, %dma_wait3A_56] : memref<2x32x80x128xi32, #tpu.memory_space<hbm>> -> memref<1x1x80x128xi32, #tpu.memory_space<hbm>>
      %dma_wait3A_58 = tpu.memref_squeeze %dma_wait3A_57 : memref<1x1x80x128xi32, #tpu.memory_space<hbm>> -> memref<80x128xi32, #tpu.memory_space<hbm>>
      %dma_wait3A_59 = arith.constant 0 : i32
      %dma_wait3A_60 = arith.constant 0 : i32
      %dma_wait3A_61 = tpu.memref_slice %arg3[%run_scoped3A_1, %add3A, %dma_wait3A_59, %dma_wait3A_60] : memref<2x32x80x128xi32, #tpu.memory_space<hbm>> -> memref<1x1x80x128xi32, #tpu.memory_space<hbm>>
      %dma_wait3A_62 = tpu.memref_squeeze %dma_wait3A_61 : memref<1x1x80x128xi32, #tpu.memory_space<hbm>> -> memref<80x128xi32, #tpu.memory_space<hbm>>
      tpu.wait_dma2 semaphore(%run_scoped3A_47 : memref<!tpu.dma_semaphore, #tpu.memory_space<semaphore_mem>>) src(%dma_wait3A_62 : memref<80x128xi32, #tpu.memory_space<hbm>>) dst(%arg6 : memref<80x128xi32, #tpu.memory_space<vmem>>)
      tpu.yield
    }) : () -> ()
    %mul3A_2 = arith.constant 640 : i32
    %mul3A_3 = arith.muli %arg1, %mul3A_2 : i32
    %mul3A_4 = arith.constant 640 : i32
    %mul3A_5 = arith.muli %arg1, %mul3A_4 : i32
    "tpu.region"() ({
      %run_scoped3A_47 = tpu.sem_alloc : memref<!tpu.dma_semaphore, #tpu.memory_space<semaphore_mem>>
      %dma_start3A_48 = arith.constant 0 : i32
      %dma_start3A_49 = tpu.memref_slice %arg9[%mul3A_5, %dma_start3A_48] : memref<10240x32xf32, #tpu.memory_space<vmem_shared>> -> memref<640x32xf32, #tpu.memory_space<vmem_shared>>
      %dma_start3A_50 = arith.constant 0 : i32
      %dma_start3A_51 = tpu.memref_slice %arg2[%mul3A_3, %dma_start3A_50] : memref<10240x32xf32, #tpu.memory_space<hbm>> -> memref<640x32xf32, #tpu.memory_space<hbm>>
      tpu.enqueue_dma source(%dma_start3A_51 : memref<640x32xf32, #tpu.memory_space<hbm>>) target(%dma_start3A_49 : memref<640x32xf32, #tpu.memory_space<vmem_shared>>) target_semaphore(%run_scoped3A_47 : memref<!tpu.dma_semaphore, #tpu.memory_space<semaphore_mem>>)
      %dma_wait3A = arith.constant 0 : i32
      %dma_wait3A_52 = tpu.memref_slice %arg9[%mul3A_5, %dma_wait3A] : memref<10240x32xf32, #tpu.memory_space<vmem_shared>> -> memref<640x32xf32, #tpu.memory_space<vmem_shared>>
      %dma_wait3A_53 = arith.constant 0 : i32
      %dma_wait3A_54 = tpu.memref_slice %arg2[%mul3A_3, %dma_wait3A_53] : memref<10240x32xf32, #tpu.memory_space<hbm>> -> memref<640x32xf32, #tpu.memory_space<hbm>>
      tpu.wait_dma2 semaphore(%run_scoped3A_47 : memref<!tpu.dma_semaphore, #tpu.memory_space<semaphore_mem>>) src(%dma_wait3A_54 : memref<640x32xf32, #tpu.memory_space<hbm>>) dst(%dma_wait3A_52 : memref<640x32xf32, #tpu.memory_space<vmem_shared>>)
      tpu.yield
    }) : () -> ()
    %broadcast_in_dim3A = arith.constant 0.000000e+00 : f32
    %broadcast_in_dim3A_6 = vector.broadcast %broadcast_in_dim3A : f32 to vector<16xf32>
    %scan3A = arith.constant 0 : i32
    %scan3A_7 = arith.constant 0 : i32
    %scan3A_8 = arith.constant 0 : i32
    %scan3A_9 = arith.constant 256 : i32
    %scan3A_10 = arith.addi %scan3A_8, %scan3A_9 : i32
    %scan3A_11 = arith.constant 1 : i32
    %scan3A_12 = scf.for %scan3A_47 = %scan3A_8 to %scan3A_10 step %scan3A_11 iter_args(%scan3A_48 = %scan3A_7) -> (i32)  : i32 {
      %jit3A = arith.constant 2 : i32
      %div3A = arith.divsi %scan3A_47, %jit3A : i32
      %sign3A = arith.constant 0 : i32
      %sign3A_49 = arith.cmpi sgt, %scan3A_47, %sign3A : i32
      %sign3A_50 = arith.extui %sign3A_49 : i1 to i32
      %sign3A_51 = arith.constant 0 : i32
      %sign3A_52 = arith.cmpi slt, %scan3A_47, %sign3A_51 : i32
      %sign3A_53 = arith.extui %sign3A_52 : i1 to i32
      %sign3A_54 = arith.subi %sign3A_50, %sign3A_53 : i32
      %sign3A_55 = arith.constant 0 : i32
      %sign3A_56 = arith.cmpi sgt, %jit3A, %sign3A_55 : i32
      %sign3A_57 = arith.extui %sign3A_56 : i1 to i32
      %sign3A_58 = arith.constant 0 : i32
      %sign3A_59 = arith.cmpi slt, %jit3A, %sign3A_58 : i32
      %sign3A_60 = arith.extui %sign3A_59 : i1 to i32
      %sign3A_61 = arith.subi %sign3A_57, %sign3A_60 : i32
      %ne3A = arith.cmpi ne, %sign3A_54, %sign3A_61 : i32
      %rem3A = arith.remsi %scan3A_47, %jit3A : i32
      %ne3A_62 = arith.constant 0 : i32
      %ne3A_63 = arith.cmpi ne, %rem3A, %ne3A_62 : i32
      %and3A = arith.andi %ne3A, %ne3A_63 : i1
      %sub3A = arith.constant 1 : i32
      %sub3A_64 = arith.subi %div3A, %sub3A : i32
      %select_n3A = arith.select %and3A, %sub3A_64, %div3A : i32
      %mul3A_65 = arith.constant 2 : i32
      %mul3A_66 = arith.muli %select_n3A, %mul3A_65 : i32
      %sub3A_67 = arith.subi %scan3A_47, %mul3A_66 : i32
      %mul3A_68 = arith.constant 16 : i32
      %mul3A_69 = arith.muli %sub3A_67, %mul3A_68 : i32
      %swap3A = arith.constant 0 : i32
      %swap3A_70 = arith.constant 0 : i32
      %swap3A_71 = tpu.memref_slice %arg7[%scan3A, %swap3A, %swap3A_70] : memref<2x128x32xf32, #tpu.memory_space<vmem>> -> memref<1x128x32xf32, #tpu.memory_space<vmem>>
      %swap3A_72 = tpu.memref_squeeze %swap3A_71 : memref<1x128x32xf32, #tpu.memory_space<vmem>> -> memref<128x32xf32, #tpu.memory_space<vmem>>
      %swap3A_73 = arith.index_cast %select_n3A : i32 to index
      %swap3A_74 = arith.index_cast %mul3A_69 : i32 to index
      %swap3A_75 = tpu.vector_load %swap3A_72[%swap3A_73, %swap3A_74] {strides = array<i32>} : memref<128x32xf32, #tpu.memory_space<vmem>>, vector<1x16xf32>,
      %swap3A_76 = vector.shape_cast %swap3A_75 : vector<1x16xf32> to vector<16xf32>
      %swap3A_77 = vector.shape_cast %broadcast_in_dim3A_6 : vector<16xf32> to vector<1x16xf32>
      tpu.vector_store %swap3A_72[%swap3A_73, %swap3A_74], %swap3A_77 {strides = array<i32>} : memref<128x32xf32, #tpu.memory_space<vmem>>, vector<1x16xf32>,
      %scan3A_78 = arith.constant 0 : i32
      scf.yield %scan3A_78 : i32
    }
    %scan3A_13 = arith.constant 256 : i32
    %scan3A_14 = arith.constant 0 : i32
    %scan3A_15 = arith.constant 0 : i32
    %scan3A_16 = arith.constant 0 : i32
    %scan3A_17 = arith.constant 5 : i32
    %scan3A_18 = arith.addi %scan3A_16, %scan3A_17 : i32
    %scan3A_19 = arith.constant 1 : i32
    %scan3A_20 = scf.for %scan3A_47 = %scan3A_16 to %scan3A_18 step %scan3A_19 iter_args(%scan3A_48 = %scan3A_15) -> (i32)  : i32 {
      %mul3A_49 = arith.constant 640 : i32
      %mul3A_50 = arith.muli %arg1, %mul3A_49 : i32
      %mul3A_51 = arith.constant 128 : i32
      %mul3A_52 = arith.muli %scan3A_47, %mul3A_51 : i32
      %add3A_53 = arith.addi %mul3A_50, %mul3A_52 : i32
      "tpu.region"() ({
        %run_scoped3A_55 = tpu.sem_alloc : memref<!tpu.dma_semaphore, #tpu.memory_space<semaphore_mem>>
        %dma_start3A_56 = arith.constant 0 : i32
        %dma_start3A_57 = arith.constant 0 : i32
        %dma_start3A_58 = tpu.memref_slice %arg7[%scan3A_14, %dma_start3A_56, %dma_start3A_57] : memref<2x128x32xf32, #tpu.memory_space<vmem>> -> memref<1x128x32xf32, #tpu.memory_space<vmem>>
        %dma_start3A_59 = tpu.memref_squeeze %dma_start3A_58 : memref<1x128x32xf32, #tpu.memory_space<vmem>> -> memref<128x32xf32, #tpu.memory_space<vmem>>
        %dma_start3A_60 = arith.constant 0 : i32
        %dma_start3A_61 = tpu.memref_slice %arg8[%add3A_53, %dma_start3A_60] : memref<10240x32xf32, #tpu.memory_space<vmem_shared>> -> memref<128x32xf32, #tpu.memory_space<vmem_shared>>
        %dma_start3A_62 = arith.constant 0 : i32
        %dma_start3A_63 = tpu.memref_slice %arg8[%add3A_53, %dma_start3A_62] : memref<10240x32xf32, #tpu.memory_space<vmem_shared>> -> memref<128x32xf32, #tpu.memory_space<vmem_shared>>
        %dma_start3A_64 = arith.constant 0 : i32
        %dma_start3A_65 = arith.constant 0 : i32
        %dma_start3A_66 = tpu.memref_slice %arg7[%scan3A_14, %dma_start3A_64, %dma_start3A_65] : memref<2x128x32xf32, #tpu.memory_space<vmem>> -> memref<1x128x32xf32, #tpu.memory_space<vmem>>
        %dma_start3A_67 = tpu.memref_squeeze %dma_start3A_66 : memref<1x128x32xf32, #tpu.memory_space<vmem>> -> memref<128x32xf32, #tpu.memory_space<vmem>>
        tpu.enqueue_dma source(%dma_start3A_67 : memref<128x32xf32, #tpu.memory_space<vmem>>) target(%dma_start3A_63 : memref<128x32xf32, #tpu.memory_space<vmem_shared>>) target_semaphore(%run_scoped3A_55 : memref<!tpu.dma_semaphore, #tpu.memory_space<semaphore_mem>>)
        %dma_wait3A = arith.constant 0 : i32
        %dma_wait3A_68 = arith.constant 0 : i32
        %dma_wait3A_69 = tpu.memref_slice %arg7[%scan3A_14, %dma_wait3A, %dma_wait3A_68] : memref<2x128x32xf32, #tpu.memory_space<vmem>> -> memref<1x128x32xf32, #tpu.memory_space<vmem>>
        %dma_wait3A_70 = tpu.memref_squeeze %dma_wait3A_69 : memref<1x128x32xf32, #tpu.memory_space<vmem>> -> memref<128x32xf32, #tpu.memory_space<vmem>>
        %dma_wait3A_71 = arith.constant 0 : i32
        %dma_wait3A_72 = tpu.memref_slice %arg8[%add3A_53, %dma_wait3A_71] : memref<10240x32xf32, #tpu.memory_space<vmem_shared>> -> memref<128x32xf32, #tpu.memory_space<vmem_shared>>
        %dma_wait3A_73 = arith.constant 0 : i32
        %dma_wait3A_74 = tpu.memref_slice %arg8[%add3A_53, %dma_wait3A_73] : memref<10240x32xf32, #tpu.memory_space<vmem_shared>> -> memref<128x32xf32, #tpu.memory_space<vmem_shared>>
        %dma_wait3A_75 = arith.constant 0 : i32
        %dma_wait3A_76 = arith.constant 0 : i32
        %dma_wait3A_77 = tpu.memref_slice %arg7[%scan3A_14, %dma_wait3A_75, %dma_wait3A_76] : memref<2x128x32xf32, #tpu.memory_space<vmem>> -> memref<1x128x32xf32, #tpu.memory_space<vmem>>
        %dma_wait3A_78 = tpu.memref_squeeze %dma_wait3A_77 : memref<1x128x32xf32, #tpu.memory_space<vmem>> -> memref<128x32xf32, #tpu.memory_space<vmem>>
        tpu.wait_dma2 semaphore(%run_scoped3A_55 : memref<!tpu.dma_semaphore, #tpu.memory_space<semaphore_mem>>) src(%dma_wait3A_78 : memref<128x32xf32, #tpu.memory_space<vmem>>) dst(%dma_wait3A_74 : memref<128x32xf32, #tpu.memory_space<vmem_shared>>)
        tpu.yield
      }) : () -> ()
      %scan3A_54 = arith.constant 0 : i32
      scf.yield %scan3A_54 : i32
    }
    %scan3A_21 = arith.constant 5 : i32
    %barrier3A = arith.constant 0 : index
    tpu.barrier barrier_id(%barrier3A)
    %dma_start3A = arith.constant 0 : i32
    %dma_start3A_22 = arith.constant 0 : i32
    %dma_start3A_23 = arith.constant 0 : i32
    %dma_start3A_24 = arith.constant 0 : i32
    %dma_start3A_25 = tpu.memref_slice %arg7[%dma_start3A_22, %dma_start3A_23, %dma_start3A_24] : memref<2x128x32xf32, #tpu.memory_space<vmem>> -> memref<1x128x32xf32, #tpu.memory_space<vmem>>
    %dma_start3A_26 = tpu.memref_squeeze %dma_start3A_25 : memref<1x128x32xf32, #tpu.memory_space<vmem>> -> memref<128x32xf32, #tpu.memory_space<vmem>>
    %dma_start3A_27 = arith.constant 0 : i32
    %dma_start3A_28 = tpu.memref_slice %arg5[%dma_start3A, %dma_start3A_27] : memref<80x128xi32, #tpu.memory_space<vmem>> -> memref<1x128xi32, #tpu.memory_space<vmem>>
    %dma_start3A_29 = tpu.memref_squeeze %dma_start3A_28 : memref<1x128xi32, #tpu.memory_space<vmem>> -> memref<128xi32, #tpu.memory_space<vmem>>
    %dma_start3A_30 = arith.constant 0 : i32
    %dma_start3A_31 = arith.constant 0 : i32
    %dma_start3A_32 = tpu.memref_slice %arg9[%dma_start3A_30, %dma_start3A_31] : memref<10240x32xf32, #tpu.memory_space<vmem_shared>> -> memref<10240x32xf32, #tpu.memory_space<vmem_shared>>
    tpu.enqueue_indirect_dma source(%dma_start3A_32 : memref<10240x32xf32, #tpu.memory_space<vmem_shared>>) target(%dma_start3A_26 : memref<128x32xf32, #tpu.memory_space<vmem>>) offsets(%dma_start3A_29 : memref<128xi32, #tpu.memory_space<vmem>>) semaphore(%arg10 : memref<!tpu.dma_semaphore, #tpu.memory_space<semaphore_mem>>)
    %scan3A_33 = arith.constant 1 : i32
    %scan3A_34 = arith.constant 0 : i32
    %scan3A_35 = arith.constant 0 : i32
    %scan3A_36 = arith.constant 0 : i32
    %scan3A_37 = arith.constant 40 : i32
    %scan3A_38 = arith.addi %scan3A_36, %scan3A_37 : i32
    %scan3A_39 = arith.constant 1 : i32
    %scan3A_40 = scf.for %scan3A_47 = %scan3A_36 to %scan3A_38 step %scan3A_39 iter_args(%scan3A_48 = %scan3A_35) -> (i32)  : i32 {
      %mul3A_49 = arith.constant 2 : i32
      %mul3A_50 = arith.muli %scan3A_47, %mul3A_49 : i32
      %add3A_51 = arith.constant 0 : i32
      %add3A_52 = arith.addi %mul3A_50, %add3A_51 : i32
      %add3A_53 = arith.constant 1 : i32
      %add3A_54 = arith.addi %add3A_52, %add3A_53 : i32
      %lt3A = arith.constant 80 : i32
      %lt3A_55 = arith.cmpi slt, %add3A_54, %lt3A : i32
      %convert_element_type3A = arith.extui %lt3A_55 : i1 to i32
      %cond3A = arith.constant 0 : i32
      %cond3A_56 = arith.cmpi ne, %convert_element_type3A, %cond3A : i32
      scf.if %cond3A_56 {
        %dma_start3A_88 = arith.constant 0 : i32
        %dma_start3A_89 = arith.constant 0 : i32
        %dma_start3A_90 = tpu.memref_slice %arg7[%scan3A_33, %dma_start3A_88, %dma_start3A_89] : memref<2x128x32xf32, #tpu.memory_space<vmem>> -> memref<1x128x32xf32, #tpu.memory_space<vmem>>
        %dma_start3A_91 = tpu.memref_squeeze %dma_start3A_90 : memref<1x128x32xf32, #tpu.memory_space<vmem>> -> memref<128x32xf32, #tpu.memory_space<vmem>>
        %dma_start3A_92 = arith.constant 0 : i32
        %dma_start3A_93 = tpu.memref_slice %arg5[%add3A_54, %dma_start3A_92] : memref<80x128xi32, #tpu.memory_space<vmem>> -> memref<1x128xi32, #tpu.memory_space<vmem>>
        %dma_start3A_94 = tpu.memref_squeeze %dma_start3A_93 : memref<1x128xi32, #tpu.memory_space<vmem>> -> memref<128xi32, #tpu.memory_space<vmem>>
        %dma_start3A_95 = arith.constant 0 : i32
        %dma_start3A_96 = arith.constant 0 : i32
        %dma_start3A_97 = tpu.memref_slice %arg9[%dma_start3A_95, %dma_start3A_96] : memref<10240x32xf32, #tpu.memory_space<vmem_shared>> -> memref<10240x32xf32, #tpu.memory_space<vmem_shared>>
        tpu.enqueue_indirect_dma source(%dma_start3A_97 : memref<10240x32xf32, #tpu.memory_space<vmem_shared>>) target(%dma_start3A_91 : memref<128x32xf32, #tpu.memory_space<vmem>>) offsets(%dma_start3A_94 : memref<128xi32, #tpu.memory_space<vmem>>) semaphore(%arg11 : memref<!tpu.dma_semaphore, #tpu.memory_space<semaphore_mem>>)
      } else {
      }
      %dma_wait3A = arith.constant 0 : i32
      %dma_wait3A_57 = arith.constant 0 : i32
      %dma_wait3A_58 = tpu.memref_slice %arg7[%scan3A_34, %dma_wait3A, %dma_wait3A_57] : memref<2x128x32xf32, #tpu.memory_space<vmem>> -> memref<1x128x32xf32, #tpu.memory_space<vmem>>
      %dma_wait3A_59 = tpu.memref_squeeze %dma_wait3A_58 : memref<1x128x32xf32, #tpu.memory_space<vmem>> -> memref<128x32xf32, #tpu.memory_space<vmem>>
      %dma_wait3A_60 = arith.constant 0 : i32
      %dma_wait3A_61 = tpu.memref_slice %arg5[%add3A_52, %dma_wait3A_60] : memref<80x128xi32, #tpu.memory_space<vmem>> -> memref<1x128xi32, #tpu.memory_space<vmem>>
      %dma_wait3A_62 = tpu.memref_squeeze %dma_wait3A_61 : memref<1x128xi32, #tpu.memory_space<vmem>> -> memref<128xi32, #tpu.memory_space<vmem>>
      %dma_wait3A_63 = arith.constant 0 : i32
      %dma_wait3A_64 = arith.constant 0 : i32
      %dma_wait3A_65 = tpu.memref_slice %arg9[%dma_wait3A_63, %dma_wait3A_64] : memref<10240x32xf32, #tpu.memory_space<vmem_shared>> -> memref<10240x32xf32, #tpu.memory_space<vmem_shared>>
      tpu.wait_indirect_dma semaphore(%arg10 : memref<!tpu.dma_semaphore, #tpu.memory_space<semaphore_mem>>) src(%dma_wait3A_65 : memref<10240x32xf32, #tpu.memory_space<vmem_shared>>) dst(%dma_wait3A_59 : memref<128x32xf32, #tpu.memory_space<vmem>>)
      "tpu.region"() ({
        %run_scoped3A_88 = tpu.sem_alloc : memref<!tpu.dma_semaphore, #tpu.memory_space<semaphore_mem>>
        %dma_start3A_89 = arith.constant 0 : i32
        %dma_start3A_90 = arith.constant 0 : i32
        %dma_start3A_91 = tpu.memref_slice %arg7[%scan3A_34, %dma_start3A_89, %dma_start3A_90] : memref<2x128x32xf32, #tpu.memory_space<vmem>> -> memref<1x128x32xf32, #tpu.memory_space<vmem>>
        %dma_start3A_92 = tpu.memref_squeeze %dma_start3A_91 : memref<1x128x32xf32, #tpu.memory_space<vmem>> -> memref<128x32xf32, #tpu.memory_space<vmem>>
        %dma_start3A_93 = arith.constant 0 : i32
        %dma_start3A_94 = tpu.memref_slice %arg6[%add3A_52, %dma_start3A_93] : memref<80x128xi32, #tpu.memory_space<vmem>> -> memref<1x128xi32, #tpu.memory_space<vmem>>
        %dma_start3A_95 = tpu.memref_squeeze %dma_start3A_94 : memref<1x128xi32, #tpu.memory_space<vmem>> -> memref<128xi32, #tpu.memory_space<vmem>>
        %dma_start3A_96 = arith.constant 0 : i32
        %dma_start3A_97 = arith.constant 0 : i32
        %dma_start3A_98 = tpu.memref_slice %arg8[%dma_start3A_96, %dma_start3A_97] : memref<10240x32xf32, #tpu.memory_space<vmem_shared>> -> memref<10240x32xf32, #tpu.memory_space<vmem_shared>>
        tpu.enqueue_indirect_dma source(%dma_start3A_92 : memref<128x32xf32, #tpu.memory_space<vmem>>) target(%dma_start3A_98 : memref<10240x32xf32, #tpu.memory_space<vmem_shared>>) offsets(%dma_start3A_95 : memref<128xi32, #tpu.memory_space<vmem>>) semaphore(%run_scoped3A_88 : memref<!tpu.dma_semaphore, #tpu.memory_space<semaphore_mem>>) {add = true}
        %dma_wait3A_99 = arith.constant 0 : i32
        %dma_wait3A_100 = arith.constant 0 : i32
        %dma_wait3A_101 = tpu.memref_slice %arg7[%scan3A_34, %dma_wait3A_99, %dma_wait3A_100] : memref<2x128x32xf32, #tpu.memory_space<vmem>> -> memref<1x128x32xf32, #tpu.memory_space<vmem>>
        %dma_wait3A_102 = tpu.memref_squeeze %dma_wait3A_101 : memref<1x128x32xf32, #tpu.memory_space<vmem>> -> memref<128x32xf32, #tpu.memory_space<vmem>>
        %dma_wait3A_103 = arith.constant 0 : i32
        %dma_wait3A_104 = tpu.memref_slice %arg6[%add3A_52, %dma_wait3A_103] : memref<80x128xi32, #tpu.memory_space<vmem>> -> memref<1x128xi32, #tpu.memory_space<vmem>>
        %dma_wait3A_105 = tpu.memref_squeeze %dma_wait3A_104 : memref<1x128xi32, #tpu.memory_space<vmem>> -> memref<128xi32, #tpu.memory_space<vmem>>
        %dma_wait3A_106 = arith.constant 0 : i32
        %dma_wait3A_107 = arith.constant 0 : i32
        %dma_wait3A_108 = tpu.memref_slice %arg8[%dma_wait3A_106, %dma_wait3A_107] : memref<10240x32xf32, #tpu.memory_space<vmem_shared>> -> memref<10240x32xf32, #tpu.memory_space<vmem_shared>>
        tpu.wait_indirect_dma semaphore(%run_scoped3A_88 : memref<!tpu.dma_semaphore, #tpu.memory_space<semaphore_mem>>) src(%dma_wait3A_102 : memref<128x32xf32, #tpu.memory_space<vmem>>) dst(%dma_wait3A_108 : memref<10240x32xf32, #tpu.memory_space<vmem_shared>>)
        tpu.yield
      }) : () -> ()
      %mul3A_66 = arith.constant 2 : i32
      %mul3A_67 = arith.muli %scan3A_47, %mul3A_66 : i32
      %add3A_68 = arith.constant 1 : i32
      %add3A_69 = arith.addi %mul3A_67, %add3A_68 : i32
      %add3A_70 = arith.constant 1 : i32
      %add3A_71 = arith.addi %add3A_69, %add3A_70 : i32
      %lt3A_72 = arith.constant 80 : i32
      %lt3A_73 = arith.cmpi slt, %add3A_71, %lt3A_72 : i32
      %convert_element_type3A_74 = arith.extui %lt3A_73 : i1 to i32
      %cond3A_75 = arith.constant 0 : i32
      %cond3A_76 = arith.cmpi ne, %convert_element_type3A_74, %cond3A_75 : i32
      scf.if %cond3A_76 {
        %dma_start3A_88 = arith.constant 0 : i32
        %dma_start3A_89 = arith.constant 0 : i32
        %dma_start3A_90 = tpu.memref_slice %arg7[%scan3A_34, %dma_start3A_88, %dma_start3A_89] : memref<2x128x32xf32, #tpu.memory_space<vmem>> -> memref<1x128x32xf32, #tpu.memory_space<vmem>>
        %dma_start3A_91 = tpu.memref_squeeze %dma_start3A_90 : memref<1x128x32xf32, #tpu.memory_space<vmem>> -> memref<128x32xf32, #tpu.memory_space<vmem>>
        %dma_start3A_92 = arith.constant 0 : i32
        %dma_start3A_93 = tpu.memref_slice %arg5[%add3A_71, %dma_start3A_92] : memref<80x128xi32, #tpu.memory_space<vmem>> -> memref<1x128xi32, #tpu.memory_space<vmem>>
        %dma_start3A_94 = tpu.memref_squeeze %dma_start3A_93 : memref<1x128xi32, #tpu.memory_space<vmem>> -> memref<128xi32, #tpu.memory_space<vmem>>
        %dma_start3A_95 = arith.constant 0 : i32
        %dma_start3A_96 = arith.constant 0 : i32
        %dma_start3A_97 = tpu.memref_slice %arg9[%dma_start3A_95, %dma_start3A_96] : memref<10240x32xf32, #tpu.memory_space<vmem_shared>> -> memref<10240x32xf32, #tpu.memory_space<vmem_shared>>
        tpu.enqueue_indirect_dma source(%dma_start3A_97 : memref<10240x32xf32, #tpu.memory_space<vmem_shared>>) target(%dma_start3A_91 : memref<128x32xf32, #tpu.memory_space<vmem>>) offsets(%dma_start3A_94 : memref<128xi32, #tpu.memory_space<vmem>>) semaphore(%arg10 : memref<!tpu.dma_semaphore, #tpu.memory_space<semaphore_mem>>)
      } else {
      }
      %dma_wait3A_77 = arith.constant 0 : i32
      %dma_wait3A_78 = arith.constant 0 : i32
      %dma_wait3A_79 = tpu.memref_slice %arg7[%scan3A_33, %dma_wait3A_77, %dma_wait3A_78] : memref<2x128x32xf32, #tpu.memory_space<vmem>> -> memref<1x128x32xf32, #tpu.memory_space<vmem>>
      %dma_wait3A_80 = tpu.memref_squeeze %dma_wait3A_79 : memref<1x128x32xf32, #tpu.memory_space<vmem>> -> memref<128x32xf32, #tpu.memory_space<vmem>>
      %dma_wait3A_81 = arith.constant 0 : i32
      %dma_wait3A_82 = tpu.memref_slice %arg5[%add3A_69, %dma_wait3A_81] : memref<80x128xi32, #tpu.memory_space<vmem>> -> memref<1x128xi32, #tpu.memory_space<vmem>>
      %dma_wait3A_83 = tpu.memref_squeeze %dma_wait3A_82 : memref<1x128xi32, #tpu.memory_space<vmem>> -> memref<128xi32, #tpu.memory_space<vmem>>
      %dma_wait3A_84 = arith.constant 0 : i32
      %dma_wait3A_85 = arith.constant 0 : i32
      %dma_wait3A_86 = tpu.memref_slice %arg9[%dma_wait3A_84, %dma_wait3A_85] : memref<10240x32xf32, #tpu.memory_space<vmem_shared>> -> memref<10240x32xf32, #tpu.memory_space<vmem_shared>>
      tpu.wait_indirect_dma semaphore(%arg11 : memref<!tpu.dma_semaphore, #tpu.memory_space<semaphore_mem>>) src(%dma_wait3A_86 : memref<10240x32xf32, #tpu.memory_space<vmem_shared>>) dst(%dma_wait3A_80 : memref<128x32xf32, #tpu.memory_space<vmem>>)
      "tpu.region"() ({
        %run_scoped3A_88 = tpu.sem_alloc : memref<!tpu.dma_semaphore, #tpu.memory_space<semaphore_mem>>
        %dma_start3A_89 = arith.constant 0 : i32
        %dma_start3A_90 = arith.constant 0 : i32
        %dma_start3A_91 = tpu.memref_slice %arg7[%scan3A_33, %dma_start3A_89, %dma_start3A_90] : memref<2x128x32xf32, #tpu.memory_space<vmem>> -> memref<1x128x32xf32, #tpu.memory_space<vmem>>
        %dma_start3A_92 = tpu.memref_squeeze %dma_start3A_91 : memref<1x128x32xf32, #tpu.memory_space<vmem>> -> memref<128x32xf32, #tpu.memory_space<vmem>>
        %dma_start3A_93 = arith.constant 0 : i32
        %dma_start3A_94 = tpu.memref_slice %arg6[%add3A_69, %dma_start3A_93] : memref<80x128xi32, #tpu.memory_space<vmem>> -> memref<1x128xi32, #tpu.memory_space<vmem>>
        %dma_start3A_95 = tpu.memref_squeeze %dma_start3A_94 : memref<1x128xi32, #tpu.memory_space<vmem>> -> memref<128xi32, #tpu.memory_space<vmem>>
        %dma_start3A_96 = arith.constant 0 : i32
        %dma_start3A_97 = arith.constant 0 : i32
        %dma_start3A_98 = tpu.memref_slice %arg8[%dma_start3A_96, %dma_start3A_97] : memref<10240x32xf32, #tpu.memory_space<vmem_shared>> -> memref<10240x32xf32, #tpu.memory_space<vmem_shared>>
        tpu.enqueue_indirect_dma source(%dma_start3A_92 : memref<128x32xf32, #tpu.memory_space<vmem>>) target(%dma_start3A_98 : memref<10240x32xf32, #tpu.memory_space<vmem_shared>>) offsets(%dma_start3A_95 : memref<128xi32, #tpu.memory_space<vmem>>) semaphore(%run_scoped3A_88 : memref<!tpu.dma_semaphore, #tpu.memory_space<semaphore_mem>>) {add = true}
        %dma_wait3A_99 = arith.constant 0 : i32
        %dma_wait3A_100 = arith.constant 0 : i32
        %dma_wait3A_101 = tpu.memref_slice %arg7[%scan3A_33, %dma_wait3A_99, %dma_wait3A_100] : memref<2x128x32xf32, #tpu.memory_space<vmem>> -> memref<1x128x32xf32, #tpu.memory_space<vmem>>
        %dma_wait3A_102 = tpu.memref_squeeze %dma_wait3A_101 : memref<1x128x32xf32, #tpu.memory_space<vmem>> -> memref<128x32xf32, #tpu.memory_space<vmem>>
        %dma_wait3A_103 = arith.constant 0 : i32
        %dma_wait3A_104 = tpu.memref_slice %arg6[%add3A_69, %dma_wait3A_103] : memref<80x128xi32, #tpu.memory_space<vmem>> -> memref<1x128xi32, #tpu.memory_space<vmem>>
        %dma_wait3A_105 = tpu.memref_squeeze %dma_wait3A_104 : memref<1x128xi32, #tpu.memory_space<vmem>> -> memref<128xi32, #tpu.memory_space<vmem>>
        %dma_wait3A_106 = arith.constant 0 : i32
        %dma_wait3A_107 = arith.constant 0 : i32
        %dma_wait3A_108 = tpu.memref_slice %arg8[%dma_wait3A_106, %dma_wait3A_107] : memref<10240x32xf32, #tpu.memory_space<vmem_shared>> -> memref<10240x32xf32, #tpu.memory_space<vmem_shared>>
        tpu.wait_indirect_dma semaphore(%run_scoped3A_88 : memref<!tpu.dma_semaphore, #tpu.memory_space<semaphore_mem>>) src(%dma_wait3A_102 : memref<128x32xf32, #tpu.memory_space<vmem>>) dst(%dma_wait3A_108 : memref<10240x32xf32, #tpu.memory_space<vmem_shared>>)
        tpu.yield
      }) : () -> ()
      %scan3A_87 = arith.constant 0 : i32
      scf.yield %scan3A_87 : i32
    }
    %scan3A_41 = arith.constant 40 : i32
    %barrier3A_42 = arith.constant 0 : index
    tpu.barrier barrier_id(%barrier3A_42)
    %mul3A_43 = arith.constant 640 : i32
    %mul3A_44 = arith.muli %arg1, %mul3A_43 : i32
    %mul3A_45 = arith.constant 640 : i32
    %mul3A_46 = arith.muli %arg1, %mul3A_45 : i32
    "tpu.region"() ({
      %run_scoped3A_47 = tpu.sem_alloc : memref<!tpu.dma_semaphore, #tpu.memory_space<semaphore_mem>>
      %dma_start3A_48 = arith.constant 0 : i32
      %dma_start3A_49 = tpu.memref_slice %arg4[%arg0, %mul3A_46, %dma_start3A_48] : memref<2x10240x32xf32, #tpu.memory_space<hbm>> -> memref<1x640x32xf32, #tpu.memory_space<hbm>>
      %dma_start3A_50 = tpu.memref_squeeze %dma_start3A_49 : memref<1x640x32xf32, #tpu.memory_space<hbm>> -> memref<640x32xf32, #tpu.memory_space<hbm>>
      %dma_start3A_51 = arith.constant 0 : i32
      %dma_start3A_52 = tpu.memref_slice %arg8[%mul3A_44, %dma_start3A_51] : memref<10240x32xf32, #tpu.memory_space<vmem_shared>> -> memref<640x32xf32, #tpu.memory_space<vmem_shared>>
      tpu.enqueue_dma source(%dma_start3A_52 : memref<640x32xf32, #tpu.memory_space<vmem_shared>>) target(%dma_start3A_50 : memref<640x32xf32, #tpu.memory_space<hbm>>) target_semaphore(%run_scoped3A_47 : memref<!tpu.dma_semaphore, #tpu.memory_space<semaphore_mem>>)
      %dma_wait3A = arith.constant 0 : i32
      %dma_wait3A_53 = tpu.memref_slice %arg4[%arg0, %mul3A_46, %dma_wait3A] : memref<2x10240x32xf32, #tpu.memory_space<hbm>> -> memref<1x640x32xf32, #tpu.memory_space<hbm>>
      %dma_wait3A_54 = tpu.memref_squeeze %dma_wait3A_53 : memref<1x640x32xf32, #tpu.memory_space<hbm>> -> memref<640x32xf32, #tpu.memory_space<hbm>>
      %dma_wait3A_55 = arith.constant 0 : i32
      %dma_wait3A_56 = tpu.memref_slice %arg8[%mul3A_44, %dma_wait3A_55] : memref<10240x32xf32, #tpu.memory_space<vmem_shared>> -> memref<640x32xf32, #tpu.memory_space<vmem_shared>>
      tpu.wait_dma2 semaphore(%run_scoped3A_47 : memref<!tpu.dma_semaphore, #tpu.memory_space<semaphore_mem>>) src(%dma_wait3A_56 : memref<640x32xf32, #tpu.memory_space<vmem_shared>>) dst(%dma_wait3A_54 : memref<640x32xf32, #tpu.memory_space<hbm>>)
      tpu.yield
    }) : () -> ()
    return
  }
}

module attributes {stable_mosaic.version = 14 : i64} {
  func.func @_t0_body(%arg0: memref<10000x128xf32, #tpu.memory_space<vmem>>, %arg1: memref<128x64xf32, #tpu.memory_space<vmem>>, %arg2: memref<10000x64xf32, #tpu.memory_space<vmem>>) attributes {dimension_semantics = [], scalar_prefetch = 0 : i64, scratch_operands = 0 : i64, tpu.core_type = #tpu.core_type<tc>} {
    %get3A = arith.constant 0 : index
    %get3A_0 = arith.constant 0 : index
    %get3A_1 = vector.load %arg0[%get3A, %get3A_0] : memref<10000x128xf32, #tpu.memory_space<vmem>>, vector<10000x128xf32>
    %get3A_2 = arith.constant 0 : index
    %get3A_3 = arith.constant 0 : index
    %get3A_4 = vector.load %arg1[%get3A_2, %get3A_3] : memref<128x64xf32, #tpu.memory_space<vmem>>, vector<128x64xf32>
    %dot_general3A = arith.constant dense<0.000000e+00> : vector<10000x64xf32>
    %dot_general3A_5 = tpu.matmul %get3A_1, %get3A_4, %dot_general3A {dimension_numbers = #tpu.dot_dimension_numbers<[1], [0], [0], [1], [0, 0, 1, 1], [], []>, transpose_lhs_hint = false} : vector<10000x128xf32>, vector<128x64xf32>, vector<10000x64xf32> -> vector<10000x64xf32>
    %swap3A = arith.constant 0 : index
    %swap3A_6 = arith.constant 0 : index
    %swap3A_7 = vector.load %arg2[%swap3A, %swap3A_6] : memref<10000x64xf32, #tpu.memory_space<vmem>>, vector<10000x64xf32>
    tpu.vector_store %arg2[%swap3A, %swap3A_6], %dot_general3A_5 {strides = array<i32>} : memref<10000x64xf32, #tpu.memory_space<vmem>>, vector<10000x64xf32>,
    return
  }
}

module attributes {stable_mosaic.version = 14 : i64} {
  func.func @_t1_body(%arg0: memref<2x10240x16xf32, #tpu.memory_space<vmem>>, %arg1: memref<10000x64xf32, #tpu.memory_space<vmem>>, %arg2: memref<10000x1xf32, #tpu.memory_space<vmem>>, %arg3: memref<10240x64xf32, #tpu.memory_space<vmem>>) attributes {dimension_semantics = [], scalar_prefetch = 0 : i64, scratch_operands = 0 : i64, tpu.core_type = #tpu.core_type<tc>} {
    %get3A = arith.constant 0 : index
    %get3A_0 = arith.constant 0 : index
    %get3A_1 = arith.constant 0 : index
    %get3A_2 = vector.load %arg0[%get3A, %get3A_0, %get3A_1] : memref<2x10240x16xf32, #tpu.memory_space<vmem>>, vector<1x10000x1xf32>
    %get3A_3 = vector.shape_cast %get3A_2 : vector<1x10000x1xf32> to vector<10000x1xf32>
    %get3A_4 = arith.constant 1 : index
    %get3A_5 = arith.constant 0 : index
    %get3A_6 = arith.constant 0 : index
    %get3A_7 = vector.load %arg0[%get3A_4, %get3A_5, %get3A_6] : memref<2x10240x16xf32, #tpu.memory_space<vmem>>, vector<1x10000x1xf32>
    %get3A_8 = vector.shape_cast %get3A_7 : vector<1x10000x1xf32> to vector<10000x1xf32>
    %add3A = arith.addf %get3A_3, %get3A_8 : vector<10000x1xf32>
    %add3A_9 = arith.constant 1.000000e+00 : f32
    %add3A_10 = vector.broadcast %add3A_9 : f32 to vector<10000x1xf32>
    %add3A_11 = arith.addf %add3A, %add3A_10 : vector<10000x1xf32>
    %rsqrt3A = math.rsqrt %add3A_11 : vector<10000x1xf32>
    %swap3A = arith.constant 0 : index
    %swap3A_12 = arith.constant 0 : index
    %swap3A_13 = vector.load %arg2[%swap3A, %swap3A_12] : memref<10000x1xf32, #tpu.memory_space<vmem>>, vector<10000x1xf32>
    tpu.vector_store %arg2[%swap3A, %swap3A_12], %rsqrt3A {strides = array<i32>} : memref<10000x1xf32, #tpu.memory_space<vmem>>, vector<10000x1xf32>,
    %get3A_14 = arith.constant 0 : index
    %get3A_15 = arith.constant 0 : index
    %get3A_16 = vector.load %arg1[%get3A_14, %get3A_15] : memref<10000x64xf32, #tpu.memory_space<vmem>>, vector<10000x64xf32>
    %mul3A = vector.broadcast %rsqrt3A : vector<10000x1xf32> to vector<10000x64xf32>
    %mul3A_17 = arith.mulf %get3A_16, %mul3A : vector<10000x64xf32>
    %broadcast_in_dim3A = arith.constant 0.000000e+00 : f32
    %broadcast_in_dim3A_18 = vector.broadcast %broadcast_in_dim3A : f32 to vector<240x64xf32>
    %concatenate3A = tpu.concatenate %mul3A_17, %broadcast_in_dim3A_18 in 0 : vector<10000x64xf32>, vector<240x64xf32> -> vector<10240x64xf32>
    %swap3A_19 = arith.constant 0 : index
    %swap3A_20 = arith.constant 0 : index
    %swap3A_21 = vector.load %arg3[%swap3A_19, %swap3A_20] : memref<10240x64xf32, #tpu.memory_space<vmem>>, vector<10240x64xf32>
    tpu.vector_store %arg3[%swap3A_19, %swap3A_20], %concatenate3A {strides = array<i32>} : memref<10240x64xf32, #tpu.memory_space<vmem>>, vector<10240x64xf32>,
    return
  }
}

module attributes {stable_mosaic.version = 14 : i64} {
  func.func @_t2_body(%arg0: memref<2x10240x64xf32, #tpu.memory_space<vmem>>, %arg1: memref<10240x64xf32, #tpu.memory_space<vmem>>, %arg2: memref<10000x1xf32, #tpu.memory_space<vmem>>, %arg3: memref<64xf32, #tpu.memory_space<vmem>>, %arg4: memref<64x32xf32, #tpu.memory_space<vmem>>, %arg5: memref<10240x32xf32, #tpu.memory_space<vmem>>) attributes {dimension_semantics = [], scalar_prefetch = 0 : i64, scratch_operands = 0 : i64, tpu.core_type = #tpu.core_type<tc>} {
    %get3A = arith.constant 0 : index
    %get3A_0 = arith.constant 0 : index
    %get3A_1 = arith.constant 0 : index
    %get3A_2 = vector.load %arg0[%get3A, %get3A_0, %get3A_1] : memref<2x10240x64xf32, #tpu.memory_space<vmem>>, vector<1x10000x64xf32>
    %get3A_3 = vector.shape_cast %get3A_2 : vector<1x10000x64xf32> to vector<10000x64xf32>
    %get3A_4 = arith.constant 1 : index
    %get3A_5 = arith.constant 0 : index
    %get3A_6 = arith.constant 0 : index
    %get3A_7 = vector.load %arg0[%get3A_4, %get3A_5, %get3A_6] : memref<2x10240x64xf32, #tpu.memory_space<vmem>>, vector<1x10000x64xf32>
    %get3A_8 = vector.shape_cast %get3A_7 : vector<1x10000x64xf32> to vector<10000x64xf32>
    %add3A = arith.addf %get3A_3, %get3A_8 : vector<10000x64xf32>
    %get3A_9 = arith.constant 0 : index
    %get3A_10 = arith.constant 0 : index
    %get3A_11 = vector.load %arg1[%get3A_9, %get3A_10] : memref<10240x64xf32, #tpu.memory_space<vmem>>, vector<10000x64xf32>
    %add3A_12 = arith.addf %add3A, %get3A_11 : vector<10000x64xf32>
    %get3A_13 = arith.constant 0 : index
    %get3A_14 = arith.constant 0 : index
    %get3A_15 = vector.load %arg2[%get3A_13, %get3A_14] : memref<10000x1xf32, #tpu.memory_space<vmem>>, vector<10000x1xf32>
    %mul3A = vector.broadcast %get3A_15 : vector<10000x1xf32> to vector<10000x64xf32>
    %mul3A_16 = arith.mulf %mul3A, %add3A_12 : vector<10000x64xf32>
    %get3A_17 = arith.constant 0 : index
    %get3A_18 = vector.load %arg3[%get3A_17] : memref<64xf32, #tpu.memory_space<vmem>>, vector<64xf32>
    %reshape3A = vector.shape_cast %get3A_18 : vector<64xf32> to vector<1x64xf32>
    %add3A_19 = vector.broadcast %reshape3A : vector<1x64xf32> to vector<10000x64xf32>
    %add3A_20 = arith.addf %mul3A_16, %add3A_19 : vector<10000x64xf32>
    %max3A = arith.constant 0.000000e+00 : f32
    %max3A_21 = vector.broadcast %max3A : f32 to vector<10000x64xf32>
    %max3A_22 = arith.maximumf %add3A_20, %max3A_21 : vector<10000x64xf32>
    %get3A_23 = arith.constant 0 : index
    %get3A_24 = arith.constant 0 : index
    %get3A_25 = vector.load %arg4[%get3A_23, %get3A_24] : memref<64x32xf32, #tpu.memory_space<vmem>>, vector<64x32xf32>
    %dot_general3A = arith.constant dense<0.000000e+00> : vector<10000x32xf32>
    %dot_general3A_26 = tpu.matmul %max3A_22, %get3A_25, %dot_general3A {dimension_numbers = #tpu.dot_dimension_numbers<[1], [0], [0], [1], [0, 0, 1, 1], [], []>, transpose_lhs_hint = false} : vector<10000x64xf32>, vector<64x32xf32>, vector<10000x32xf32> -> vector<10000x32xf32>
    %mul3A_27 = vector.broadcast %get3A_15 : vector<10000x1xf32> to vector<10000x32xf32>
    %mul3A_28 = arith.mulf %dot_general3A_26, %mul3A_27 : vector<10000x32xf32>
    %broadcast_in_dim3A = arith.constant 0.000000e+00 : f32
    %broadcast_in_dim3A_29 = vector.broadcast %broadcast_in_dim3A : f32 to vector<240x32xf32>
    %concatenate3A = tpu.concatenate %mul3A_28, %broadcast_in_dim3A_29 in 0 : vector<10000x32xf32>, vector<240x32xf32> -> vector<10240x32xf32>
    %swap3A = arith.constant 0 : index
    %swap3A_30 = arith.constant 0 : index
    %swap3A_31 = vector.load %arg5[%swap3A, %swap3A_30] : memref<10240x32xf32, #tpu.memory_space<vmem>>, vector<10240x32xf32>
    tpu.vector_store %arg5[%swap3A, %swap3A_30], %concatenate3A {strides = array<i32>} : memref<10240x32xf32, #tpu.memory_space<vmem>>, vector<10240x32xf32>,
    return
  }
}

module attributes {stable_mosaic.version = 14 : i64} {
  func.func @_t3_body(%arg0: memref<2x10240x32xf32, #tpu.memory_space<vmem>>, %arg1: memref<10240x32xf32, #tpu.memory_space<vmem>>, %arg2: memref<10000x1xf32, #tpu.memory_space<vmem>>, %arg3: memref<32xf32, #tpu.memory_space<vmem>>, %arg4: memref<32x1xf32, #tpu.memory_space<vmem>>, %arg5: memref<1xf32, #tpu.memory_space<vmem>>, %arg6: memref<10000x1xf32, #tpu.memory_space<vmem>>) attributes {dimension_semantics = [], scalar_prefetch = 0 : i64, scratch_operands = 0 : i64, tpu.core_type = #tpu.core_type<tc>} {
    %get3A = arith.constant 0 : index
    %get3A_0 = arith.constant 0 : index
    %get3A_1 = arith.constant 0 : index
    %get3A_2 = vector.load %arg0[%get3A, %get3A_0, %get3A_1] : memref<2x10240x32xf32, #tpu.memory_space<vmem>>, vector<1x10000x32xf32>
    %get3A_3 = vector.shape_cast %get3A_2 : vector<1x10000x32xf32> to vector<10000x32xf32>
    %get3A_4 = arith.constant 1 : index
    %get3A_5 = arith.constant 0 : index
    %get3A_6 = arith.constant 0 : index
    %get3A_7 = vector.load %arg0[%get3A_4, %get3A_5, %get3A_6] : memref<2x10240x32xf32, #tpu.memory_space<vmem>>, vector<1x10000x32xf32>
    %get3A_8 = vector.shape_cast %get3A_7 : vector<1x10000x32xf32> to vector<10000x32xf32>
    %add3A = arith.addf %get3A_3, %get3A_8 : vector<10000x32xf32>
    %get3A_9 = arith.constant 0 : index
    %get3A_10 = arith.constant 0 : index
    %get3A_11 = vector.load %arg1[%get3A_9, %get3A_10] : memref<10240x32xf32, #tpu.memory_space<vmem>>, vector<10000x32xf32>
    %add3A_12 = arith.addf %add3A, %get3A_11 : vector<10000x32xf32>
    %get3A_13 = arith.constant 0 : index
    %get3A_14 = arith.constant 0 : index
    %get3A_15 = vector.load %arg2[%get3A_13, %get3A_14] : memref<10000x1xf32, #tpu.memory_space<vmem>>, vector<10000x1xf32>
    %mul3A = vector.broadcast %get3A_15 : vector<10000x1xf32> to vector<10000x32xf32>
    %mul3A_16 = arith.mulf %mul3A, %add3A_12 : vector<10000x32xf32>
    %get3A_17 = arith.constant 0 : index
    %get3A_18 = vector.load %arg3[%get3A_17] : memref<32xf32, #tpu.memory_space<vmem>>, vector<32xf32>
    %reshape3A = vector.shape_cast %get3A_18 : vector<32xf32> to vector<1x32xf32>
    %add3A_19 = vector.broadcast %reshape3A : vector<1x32xf32> to vector<10000x32xf32>
    %add3A_20 = arith.addf %mul3A_16, %add3A_19 : vector<10000x32xf32>
    %max3A = arith.constant 0.000000e+00 : f32
    %max3A_21 = vector.broadcast %max3A : f32 to vector<10000x32xf32>
    %max3A_22 = arith.maximumf %add3A_20, %max3A_21 : vector<10000x32xf32>
    %get3A_23 = arith.constant 0 : index
    %get3A_24 = arith.constant 0 : index
    %get3A_25 = vector.load %arg4[%get3A_23, %get3A_24] : memref<32x1xf32, #tpu.memory_space<vmem>>, vector<32x1xf32>
    %dot_general3A = arith.constant dense<0.000000e+00> : vector<10000x1xf32>
    %dot_general3A_26 = tpu.matmul %max3A_22, %get3A_25, %dot_general3A {dimension_numbers = #tpu.dot_dimension_numbers<[1], [0], [0], [1], [0, 0, 1, 1], [], []>, transpose_lhs_hint = false} : vector<10000x32xf32>, vector<32x1xf32>, vector<10000x1xf32> -> vector<10000x1xf32>
    %get3A_27 = arith.constant 0 : index
    %get3A_28 = vector.load %arg5[%get3A_27] : memref<1xf32, #tpu.memory_space<vmem>>, vector<1xf32>
    %reshape3A_29 = vector.shape_cast %get3A_28 : vector<1xf32> to vector<1x1xf32>
    %add3A_30 = vector.broadcast %reshape3A_29 : vector<1x1xf32> to vector<10000x1xf32>
    %add3A_31 = arith.addf %dot_general3A_26, %add3A_30 : vector<10000x1xf32>
    %swap3A = arith.constant 0 : index
    %swap3A_32 = arith.constant 0 : index
    %swap3A_33 = vector.load %arg6[%swap3A, %swap3A_32] : memref<10000x1xf32, #tpu.memory_space<vmem>>, vector<10000x1xf32>
    tpu.vector_store %arg6[%swap3A, %swap3A_32], %add3A_31 {strides = array<i32>} : memref<10000x1xf32, #tpu.memory_space<vmem>>, vector<10000x1xf32>,
    return
  }
}

</mosaic_0001>

<sc_bundles>
// kernel: kernel.12.cloned.1.call-start
scs
__scs_entry_jumppad:
0x0: {  	(pc) =	sbr.rel $0x88, $3  }
0x1: {  	(tag) =	ssettag $0x0;
	lr =	simm.s32 $0x1  }
0x2: {  	[smem:$0x3F99] =	sst lr;
	_ =	strace $0xD0000000  }
0x3: {  	_ = 	snop  }
0x4: {  	_ = 	snop  }
0x5: {  	_ = 	snop  }
0x6: {  	_ = 	snop  }
0x7: {  	_ = 	snop  }
__scs_overlays_trampoline_lowered:
0x8: {  	[smem:$0x3FA8] =	sst s0  }
0x9: {  	[smem:$0x3FA9] =	sst s1  }
0xa: {  	[smem:$0x3FAA] =	sst s2  }
0xb: {  	[smem:$0x3FAB] =	sst s3  }
0xc: {  	[smem:$0x3FAC] =	sst s4  }
0xd: {  	[smem:$0x3FAD] =	sst s5  }
0xe: {  	[smem:$0x3FAE] =	sst s6  }
0xf: {  	[smem:$0x3FAF] =	sst s7  }
0x10: {  	[smem:$0x3FB0] =	sst s8  }
0x11: {  	[smem:$0x3FB1] =	sst s9;
	s0 =	simm.s32 @!p0 $0x0  }
0x12: {  	s1 =	sld [smem:$0x3F97];
	s0 =	simm.s32 @p0 $0x1  }
0x13: {  	[smem:$0x3FB2] =	sst s0;
	s0 =	simm.s32 @!p1 $0x0  }
0x14: {  	s2 =	sld [smem:$0x3F96];
	s0 =	simm.s32 @p1 $0x1  }
0x15: {  	[smem:$0x3FB3] =	sst s0;
	s0 =	simm.s32 @!p2 $0x0  }
0x16: {  	s3 =	sld [smem:$0x3FDB];
	s0 =	simm.s32 @p2 $0x1  }
0x17: {  	s4 =	simm.s32 $0x1BF5;
	[smem:$0x3FB5] =	sst s0  }
0x18: {  	s0 =	sld [smem:$0x3F98];
	_ =	swait.ge [sflag:s4], $0x0  }
0x19: {  	s7 =	sld [smem:$0x3F99]  }
0x1a: {  	s8 =	sadd.s32 $0xFFFFE003, lr  }
0x1b: {  	s9 =	sadd.s32 $0xFFFFFEF7, lr;
	s5 =	simm.s32 $0xFFFFFFFF;
	p2 =	slt.u32 s8, $0xFFFFF086  }
0x1c: {  	p1 =	slt.u32 s9, $0xF7A;
	s5 =	simm.s32 @!p2 $0x0  }
0x1d: {  	s5 =	simm.s32 @p1 $0x1;
	p0 =	seq.s32 s7, s2  }
0x1e: {  	s7 =	smul.u32 @!p0 $0xF7A, s2;
	p2 =	seq.s32 @!p0 s5, $0x0  }
0x1f: {  	s9 =	smul.u32 $0xF7A, s1;
	s8 =	simm.s32 @!p0 $0x1BF5;
	p2 =	por !p2, p0  }
0x20: {  	[sflag:s8] =	ssyncset.s32 @!p0 $0xFFFFF086;
	s6 =	sadd.s32 @!p0 s3, s7;
	s7 =	simm.s32 @!p0 $0x108  }
0x21: {  	s3 =	sadd.s32 s3, s9;
	s6 =	sadd.s32 @!p0 $0x88, s6;
	s7 =	simm.s32 @p2 $0x1082  }
0x22: {  	[simem:s7], [sflag:s8] =	dma.local @!p0 [hbm:s6], $0xF7A  }
0x23: {  	s9 =	sor.u32 $0xD0000000, s2;
	s6 =	simm.s32 $0x108;
	_ =	swait.ge @!p0 [sflag:s8], $0x0  }
0x24: {  	s3 =	sadd.s32 $0x88, s3;
	s6 =	simm.s32 @!p1 $0x1082;
	[sflag:s4] =	ssyncset.s32 $0xFFFFF086  }
0x25: {  	[simem:s6], [sflag:s4] =	dma.local [hbm:s3], $0xF7A  }
0x26: {  	[smem:$0x3F99] =	sst s1;
	(tag) =	ssettag s2;
	_ =	strace s9  }
0x27: {  	s1 =	sld [smem:$0x3FA9]  }
0x28: {  	s2 =	sld [smem:$0x3FAA]  }
0x29: {  	s4 =	sld [smem:$0x3FAC]  }
0x2a: {  	p0 =	seq.s32 s5, $0x0;
	s5 =	sld [smem:$0x3FAD]  }
0x2b: {  	s6 =	sld [smem:$0x3FAE]  }
0x2c: {  	s7 =	sld [smem:$0x3FAF]  }
0x2d: {  	s3 =	simm.s32 $0x108;
	s8 =	sld [smem:$0x3FB0]  }
0x2e: {  	s3 =	simm.s32 @!p0 $0x1082;
	s9 =	sld [smem:$0x3FB1]  }
0x2f: {  	lr =	sadd.s32 s0, s3;
	s0 =	sld [smem:$0x3FA8]  }
0x30: {  	s3 =	sld [smem:$0x3FAB]  }
0x31: {  	[smem:$0x3FB4] =	sst s10  }
0x32: {  	s10 =	sld [smem:$0x3FB2];
	_ =	sdelay $0x3  }
0x33: {  	p0 =	seq.s32 s10, $0x1;
	s10 =	sld [smem:$0x3FB4];
	_ =	sdelay $0x3  }
0x34: {  	[smem:$0x3FB4] =	sst s10  }
0x35: {  	s10 =	sld [smem:$0x3FB3];
	_ =	sdelay $0x3  }
0x36: {  	p1 =	seq.s32 s10, $0x1;
	s10 =	sld [smem:$0x3FB4];
	_ =	sdelay $0x3  }
0x37: {  	[smem:$0x3FB4] =	sst s10  }
0x38: {  	s10 =	sld [smem:$0x3FB5]  }
0x39: {  	_ = 	snop;
	(pc) =	sbr.ind lr, $3  }
0x3a: {  	_ = 	snop  }
0x3b: {  	_ = 	snop  }
0x3c: {  	p2 =	seq.s32 s10, $0x1;
	s10 =	sld [smem:$0x3FB4]  }
0x3d: {  	_ =	shalt  }
0x3e: {  	_ =	shalt  }
0x3f: {  	_ =	shalt  }
0x40: {  	_ =	shalt  }
0x41: {  	_ =	shalt  }
0x42: {  	_ =	shalt  }
0x43: {  	_ =	shalt  }
0x44: {  	_ =	shalt  }
0x45: {  	_ =	shalt  }
0x46: {  	_ =	shalt  }
0x47: {  	_ =	shalt  }
0x48: {  	_ =	shalt  }
0x49: {  	_ =	shalt  }
0x4a: {  	_ =	shalt  }
0x4b: {  	_ =	shalt  }
0x4c: {  	_ =	shalt  }
0x4d: {  	_ =	shalt  }
0x4e: {  	_ =	shalt  }
0x4f: {  	_ =	shalt  }
0x50: {  	_ =	shalt  }
0x51: {  	_ =	shalt  }
0x52: {  	_ =	shalt  }
0x53: {  	_ =	shalt  }
0x54: {  	_ =	shalt  }
0x55: {  	_ =	shalt  }
0x56: {  	_ =	shalt  }
0x57: {  	_ =	shalt  }
0x58: {  	_ =	shalt  }
0x59: {  	_ =	shalt  }
0x5a: {  	_ =	shalt  }
0x5b: {  	_ =	shalt  }
0x5c: {  	_ =	shalt  }
0x5d: {  	_ =	shalt  }
0x5e: {  	_ =	shalt  }
0x5f: {  	_ =	shalt  }
0x60: {  	_ =	shalt  }
0x61: {  	_ =	shalt  }
0x62: {  	_ =	shalt  }
0x63: {  	_ =	shalt  }
0x64: {  	_ =	shalt  }
0x65: {  	_ =	shalt  }
0x66: {  	_ =	shalt  }
0x67: {  	_ =	shalt  }
0x68: {  	_ =	shalt  }
0x69: {  	_ =	shalt  }
0x6a: {  	_ =	shalt  }
0x6b: {  	_ =	shalt  }
0x6c: {  	_ =	shalt  }
0x6d: {  	_ =	shalt  }
0x6e: {  	_ =	shalt  }
0x6f: {  	_ =	shalt  }
0x70: {  	_ =	shalt  }
0x71: {  	_ =	shalt  }
0x72: {  	_ =	shalt  }
0x73: {  	_ =	shalt  }
0x74: {  	_ =	shalt  }
0x75: {  	_ =	shalt  }
0x76: {  	_ =	shalt  }
0x77: {  	_ =	shalt  }
0x78: {  	_ =	shalt  }
0x79: {  	_ =	shalt  }
0x7a: {  	_ =	shalt  }
0x7b: {  	_ =	shalt  }
0x7c: {  	_ =	shalt  }
0x7d: {  	_ =	shalt  }
0x7e: {  	_ =	shalt  }
0x7f: {  	_ =	shalt  }
0x80: {  	_ =	shalt  }
0x81: {  	_ =	shalt  }
0x82: {  	_ =	shalt  }
0x83: {  	_ =	shalt  }
0x84: {  	_ =	shalt  }
0x85: {  	_ =	shalt  }
0x86: {  	_ =	shalt  }
0x87: {  	_ =	shalt  }
.Lfunc_end0:
.L_simem_size_0:
called_computation.1_lowered:
.L_overlay_start_0:
0x88: {  	s2 =	sld [smem:$0x3FD9]  }
0x89: {  	s3 =	sld [smem:$0x3FFE];
	_ =	sdelay $0x1  }
0x8a: {  	s1 =	srdreg.scid  }
0x8b: {  	s0 =	sand.u32 $0x1, s1  }
0x8c: {  	s16 =	sshll.u32 s0, $0xA;
	s2 =	sadd.s32 s3, s2  }
0x8d: {  	s2 =	sadd.s32 s2, s16  }
0x8e: {  	[smem:$0x3FC0] =	sst s2  }
0x8f: {  	_ = 	snop  }
0x90: {  	(tm) =	ssettm $0x1  }
0x91: {  	s17 =	sld [smem:$0x3FFB];
	_ =	sdelay $0x3  }
0x92: {  	_ =	strace s17  }
0x93: {  	s2 =	sld [smem:$0x3FFC];
	_ =	sdelay $0x3  }
0x94: {  	_ =	strace s2  }
0x95: {  	s2 =	sld [smem:$0x3FFD];
	_ =	sdelay $0x3  }
0x96: {  	_ =	strace s2  }
0x97: {  	_ =	strace $0x8FFFFFFF  }
0x98: {  	s18 =	sld [smem:$0x3FDB];
	_ =	sdelay $0x1  }
0x99: {  	s19 =	simm.s32 $_scs_section_size  }
0x9a: {  	s4 =	simm.s32 $_size__tile_overlayer_lowered;
	s5 =	simm.s32 $_tile_overlayer_lowered  }
0x9b: {  	s22 =	simm.s32 $0x1BFF;
	s21 =	sshll.u32 s5, $0x1;
	s2 =	sadd.s32 s19, s18  }
0x9c: {  	s6 =	simm.s32 $0x0;
	s20 =	sshll.u32 s4, $0x1;
	s4 =	sadd.s32 s21, s2  }
0x9d: {  	[timem:s6], [sflag:s22] =	dma.local [hbm:s4], s20  }
0x9e: {  	_ =	swait.ge [sflag:s22], s20  }
0x9f: {  	s3 =	ssub.s32 $0x0, s20;
	[sflag:s22] =	ssyncset.done $0x0  }
0xa0: {  	[sflag:s22] =	ssyncadd.s32 s3;
	_ =	sdelay $0x1  }
0xa1: {  	s23 =	simm.s32 $0x1B8B  }
0xa2: {  	_ =	swait.ge [sflag:s23], $0x1  }
0xa3: {  	[sflag:s23] =	ssyncset.done $0x0  }
0xa4: {  	s25 =	simm.s32 $0x1B8E;
	s24 =	sld [smem:$0x3FFE];
	[sflag:s23] =	ssyncadd.s32 $0xFFFFFFFF  }
0xa5: {  	s26 =	simm.s32 $execute0_lowered;
	[smem:$0x3FD2] =	sst s25  }
0xa6: {  	s4 =	sshll.u32 s26, $0x1;
	_ =	strace $0x80000049;
	[dreg:$0x1] =	wrdreg $0xFFFFFFFF  }
0xa7: {  	s28 =	simm.s32 $_size_execute0_lowered;
	s2 =	sadd.s32 s2, s4;
	[dreg:$0x0] =	wrdreg $0x0  }
0xa8: {  	s4 =	sshll.u32 s28, $0x1;
	[dreg:$0x2] =	wrdreg s2  }
0xa9: {  	[dreg:$0x3] =	wrdreg s4  }
0xaa: {  	[dreg:$0x4] =	wrdreg $0xC0  }
0xab: {  	_ =	task [dreg:s6], $0x5FFFF  }
0xac: {  	[dreg:$0x1] =	wrdreg $0xFFFFFFFF  }
0xad: {  	[dreg:$0x0] =	wrdreg $0x60  }
0xae: {  	[dreg:$0x2] =	wrdreg s24  }
0xaf: {  	[dreg:$0x3] =	wrdreg $0x130000  }
0xb0: {  	[dreg:$0x4] =	wrdreg $0x90000  }
0xb1: {  	[dreg:$0x5] =	wrdreg $0x9  }
0xb2: {  	_ =	task.clear_ibuf [dreg:s6], $0x6FFFF;
	_ =	strace $0x90000049  }
0xb3: {  	s29 =	simm.s32 $0x9;
	_ =	strace $0x8000004B  }
0xb4: {  	_ =	swait.ge [sflag:s29], $0x1  }
0xb5: {  	[sflag:s29] =	ssyncadd.s32 $0xFFFFFFFF  }
0xb6: {  	_ =	strace $0x9000004B  }
0xb7: {  	_ =	sfence  }
0xb8: {  	s30 =	sld [smem:$0x0];
	_ =	sdelay $0x2  }
0xb9: {  	s31 =	sshll.u32 s1, $0xD;
	s1 =	sshrl.u32 s1, $0x2  }
0xba: {  	s3 =	sand.u32 $0x4000, s31;
	s1 =	sadd.s32 s1, s30  }
0xbb: {  	s0 =	sor.u32 s3, s0;
	s1 =	sshll.u32 s1, $0x11  }
0xbc: {  	s0 =	sor.u32 s1, s0  }
0xbd: {  	s0 =	sadd.s32 $0x8F2B, s0  }
0xbe: {  	[sflag:s0] =	ssyncadd.remote.s32 $0x1  }
0xbf: {  	_ =	sfence.sel $0xFFFF  }
0xc0: {  	[dreg:$0x0] =	wrdreg $0xFFFFFFFF;
	(pc) =	sbr.abs _section_cstart, $3  }
0xc1: {  	[dreg:$0x1] =	wrdreg $0xFFFFFFFF  }
0xc2: {  	_ =	task.clear_ibuf [dreg:s6], $0x2FFFF;
	_ =	strace $0x9FFFFFFF  }
0xc3: {  	(tm) =	ssettm $0x7FFFFFFF  }
tec
execute0_lowered:
.L_overlay_start_1:
0x0: {  	(tag) =	ssettag $0x1  }
0x1: {  	s0 =	srdreg.scid;
	s5 =	rddreg [dreg:$0x0]  }
0x2: {  	s2 =	rddreg [dreg:$0x1];
	s31 =	stileid.u32  }
0x3: {  	s3 =	rddreg [dreg:$0x2];
	s4 =	simm.s32 $0x0;
	s15 =	simm.s32 $0x3  }
0x4: {  	s19 =	simm.s32 $0x5000;
	s20 =	simm.s32 $0x80;
	s21 =	simm.s32 $0x7000  }
0x5: {  	s22 =	simm.s32 $0x1;
	s23 =	simm.s32 $0x2;
	s24 =	simm.s32 $0x2780  }
0x6: {  	s26 =	simm.s32 $0x4F00;
	s28 =	simm.s32 $0x4F80;
	s29 =	simm.s32 $0x0  }
0x7: {  	s6 =	sand.u32 $0x1, s0;
	s10 =	smul.u32 $0xA000, s31;
	[smem:$0x7FF] =	sst s4  }
0x8: {  	s12 =	smul.u32 $0x28000, s31;
	s17 =	sshll.u32 s31, $0x6;
	s1 =	sshll.u32 s6, $0x4  }
0x9: {  	s9 =	smul.u32 $0xA0000, s6;
	_ =	strace $0x8000004A;
	s6 =	ssub.s32 $0x2, s6  }
0xa: {  	s17 =	sor.u32 $0x1C03, s17;
	s7 =	sor.u32 s31, s1;
	s8 =	sshrl.u32 s10, $0x3  }
0xb: {  	s11 =	sshrl.u32 s6, $0x1;
	s18 =	sadd.s32 s10, s2;
	s7 =	smul.u32 $0x2800, s7  }
0xc: {  	s12 =	sshrl.u32 s12, $0x2;
	s25 =	sadd.s32 s10, s3;
	s8 =	sadd.s32 s8, s5  }
0xd: {  	s9 =	sadd.s32 s10, s9;
	s11 =	ssub.s32 s6, s11;
	s7 =	sshrl.u32 s7, $0x3  }
0xe: {  	s18 =	sshrl.u32 s18, $0x3;
	s9 =	sshrl.u32 s9, $0x3;
	s7 =	sadd.s32 s7, s5  }
0xf: {  	s25 =	sshrl.u32 s25, $0x3;
	s9 =	sadd.s32 s9, s5;
	s5 =	sadd.s32 $0x66200, s7  }
0x10: {  	s6 =	sadd.s32 $0x70200, s7;
	s7 =	sadd.s32 $0x2200, s8;
	s8 =	sadd.s32 s12, s3  }
0x11: {  	s10 =	smax.u32 s11, $0x1;
	s9 =	sadd.s32 $0x16200, s9;
	s11 =	sadd.s32 $0x2000, s8  }
0x12: {  	v0 =	vimm.f32 $0.0e+00;
	s12 =	sadd.s32 $0x4000, s8;
	s13 =	sadd.s32 $0x6000, s8;
	s14 =	sadd.s32 $0x8000, s8  }
.LBB2_1:
0x13: {  	[tilespmem:s4], [sflag:$0x3] =	stream.linear.gather [hbm4b:s5+s4], $0x2800, $0x38;
	[tilespmem:$0x1D000] =	vst v63  }
0x14: {  	_ =	swait.ge [sflag:s15], $0x2800  }
0x15: {  	[sflag:s15] =	ssyncset.done $0x0  }
0x16: {  	s0 =	simm.s32 $0x2800;
	[sflag:s15] =	ssyncadd.s32 $0xFFFFD800  }
0x17: {  	[tilespmem:s0], [sflag:$0x3] =	stream.linear.gather [hbm4b:s6+s4], $0x2800, $0x38;
	[tilespmem:$0x1D000] =	vst v63  }
0x18: {  	_ =	swait.ge [sflag:s15], $0x2800  }
0x19: {  	[sflag:s15] =	ssyncset.done $0x0  }
0x1a: {  	[sflag:s15] =	ssyncadd.s32 $0xFFFFD800  }
0x1b: {  	[spmem:s18], [sflag:s17] =	dma.local [hbm:s7], $0x1400  }
0x1c: {  	_ =	swait.ge [sflag:s15], $0x1400  }
0x1d: {  	[sflag:s15] =	ssyncset.done $0x0  }
0x1e: {  	[sflag:s15] =	ssyncadd.s32 $0xFFFFEC00  }
0x1f: {  	s30 =	simm.s32 $0x1;
	s31 =	simm.s32 $0x5000;
	[tilespmem:s19+$0x0] =	vst v0  }
.LBB2_2:
0x20: {  	p0 =	sne.s32 s30, $0x1FF  }
.Ltmp0:
0x21: {  	_ = 	snop;
	(pc) =	sbr.rel @p0 .LBB2_2-.Ltmp0, $3  }
0x22: {  	_ =	sdelay $0x1  }
0x23: {  	s30 =	sadd.s32 $0x1, s30;
	s31 =	sadd.s32 $0x10, s31  }
0x24: {  	[tilespmem:s31+$0x0] =	vst v0  }
0x25: {  	[spmem:s8] =	stream.linear.scatter [tilespmem:s19], [sflag:$0x3], $0x2000, $0x38;
	[tilespmem:$0x1D000] =	vst v63  }
0x26: {  	_ =	swait.ge [sflag:s15], $0x2000  }
0x27: {  	[sflag:s15] =	ssyncset.done $0x0  }
0x28: {  	[sflag:s15] =	ssyncadd.s32 $0xFFFFE000  }
0x29: {  	[spmem:s11] =	stream.linear.scatter [tilespmem:s19], [sflag:$0x3], $0x2000, $0x38;
	[tilespmem:$0x1D000] =	vst v63  }
0x2a: {  	_ =	swait.ge [sflag:s15], $0x2000  }
0x2b: {  	[sflag:s15] =	ssyncset.done $0x0  }
0x2c: {  	[sflag:s15] =	ssyncadd.s32 $0xFFFFE000  }
0x2d: {  	[spmem:s12] =	stream.linear.scatter [tilespmem:s19], [sflag:$0x3], $0x2000, $0x38;
	[tilespmem:$0x1D000] =	vst v63  }
0x2e: {  	_ =	swait.ge [sflag:s15], $0x2000  }
0x2f: {  	[sflag:s15] =	ssyncset.done $0x0  }
0x30: {  	[sflag:s15] =	ssyncadd.s32 $0xFFFFE000  }
0x31: {  	[spmem:s13] =	stream.linear.scatter [tilespmem:s19], [sflag:$0x3], $0x2000, $0x38;
	[tilespmem:$0x1D000] =	vst v63  }
0x32: {  	_ =	swait.ge [sflag:s15], $0x2000  }
0x33: {  	[sflag:s15] =	ssyncset.done $0x0  }
0x34: {  	[sflag:s15] =	ssyncadd.s32 $0xFFFFE000  }
0x35: {  	[spmem:s14] =	stream.linear.scatter [tilespmem:s19], [sflag:$0x3], $0x2000, $0x38;
	[tilespmem:$0x1D000] =	vst v63  }
0x36: {  	_ =	swait.ge [sflag:s15], $0x2000  }
0x37: {  	[sflag:s15] =	ssyncset.done $0x0  }
0x38: {  	[sflag:s15] =	ssyncadd.s32 $0xFFFFE000  }
0x39: {  	s30 =	simm.s32 $0x0;
	[bflag:$0x0] =	sbarrier.arrive $0xFFFF  }
0x3a: {  	[tilespmem:s19], [sflag:$0x1] =	stream.indirect.gather [spmem:s2], $0x40, s30, s20, $0xb8;
	[tilespmem:$0x1D000] =	vst v63  }
0x3b: {  	s30 =	simm.s32 $0x80  }
0x3c: {  	[tilespmem:s21], [sflag:$0x2] =	stream.indirect.gather [spmem:s2], $0x40, s30, s20, $0xb8;
	[tilespmem:$0x1D000] =	vst v63  }
0x3d: {  	_ =	swait.ge [sflag:s22], $0x2000  }
0x3e: {  	[sflag:s22] =	ssyncset.done $0x0  }
0x3f: {  	s30 =	simm.s32 $0x2800;
	[sflag:s22] =	ssyncadd.s32 $0xFFFFE000  }
0x40: {  	[spmem:s3] =	stream.indirect.scatter.add.f32 [tilespmem:s19], [sflag:$0x3], $0x40, s30, s20, $0xb8;
	[tilespmem:$0x1D000] =	vst v63  }
0x41: {  	_ =	swait.ge [sflag:s15], $0x2000  }
0x42: {  	[sflag:s15] =	ssyncset.done $0x0  }
0x43: {  	s30 =	simm.s32 $0x100;
	[sflag:s15] =	ssyncadd.s32 $0xFFFFE000  }
0x44: {  	[tilespmem:s19], [sflag:$0x1] =	stream.indirect.gather [spmem:s2], $0x40, s30, s20, $0xb8;
	[tilespmem:$0x1D000] =	vst v63  }
0x45: {  	_ =	swait.ge [sflag:s23], $0x2000  }
0x46: {  	[sflag:s23] =	ssyncset.done $0x0  }
0x47: {  	s30 =	simm.s32 $0x2880;
	[sflag:s23] =	ssyncadd.s32 $0xFFFFE000  }
0x48: {  	[spmem:s3] =	stream.indirect.scatter.add.f32 [tilespmem:s21], [sflag:$0x3], $0x40, s30, s20, $0xb8;
	[tilespmem:$0x1D000] =	vst v63  }
0x49: {  	_ =	swait.ge [sflag:s15], $0x2000  }
0x4a: {  	s31 =	simm.s32 $0x800;
	s30 =	simm.s32 $0x100;
	[sflag:s15] =	ssyncset.done $0x0  }
.LBB2_4:
0x4b: {  	s1 =	sadd.s32 $0x80, s30  }
0x4c: {  	[sflag:s15] =	ssyncadd.s32 $0xFFFFE000;
	s0 =	smov.u32 s31;
	s16 =	sadd.s32 $0x400, s31  }
0x4d: {  	[tilespmem:s21], [sflag:$0x2] =	stream.indirect.gather [spmem:s2], $0x40, s1, s20, $0xb8;
	[tilespmem:$0x1D000] =	vst v63  }
0x4e: {  	p0 =	sne.s32 s31, $0x9800;
	_ =	swait.ge [sflag:s22], $0x2000  }
0x4f: {  	[sflag:s22] =	ssyncset.done $0x0  }
0x50: {  	s1 =	sadd.s32 $0x2800, s30;
	[sflag:s22] =	ssyncadd.s32 $0xFFFFE000  }
0x51: {  	[spmem:s3] =	stream.indirect.scatter.add.f32 [tilespmem:s19], [sflag:$0x3], $0x40, s1, s20, $0xb8;
	[tilespmem:$0x1D000] =	vst v63  }
0x52: {  	_ =	swait.ge [sflag:s15], $0x2000  }
0x53: {  	[sflag:s15] =	ssyncset.done $0x0  }
0x54: {  	s1 =	sadd.s32 $0x100, s30;
	[sflag:s15] =	ssyncadd.s32 $0xFFFFE000  }
0x55: {  	[tilespmem:s19], [sflag:$0x1] =	stream.indirect.gather [spmem:s2], $0x40, s1, s20, $0xb8;
	[tilespmem:$0x1D000] =	vst v63  }
0x56: {  	_ =	swait.ge [sflag:s23], $0x2000  }
.Ltmp1:
0x57: {  	[sflag:s23] =	ssyncset.done $0x0;
	(pc) =	sbr.rel @p0 .LBB2_4-.Ltmp1, $4  }
0x58: {  	s1 =	sadd.s32 $0x2880, s30;
	[sflag:s23] =	ssyncadd.s32 $0xFFFFE000  }
0x59: {  	[spmem:s3] =	stream.indirect.scatter.add.f32 [tilespmem:s21], [sflag:$0x3], $0x40, s1, s20, $0xb8;
	[tilespmem:$0x1D000] =	vst v63  }
0x5a: {  	_ =	swait.ge [sflag:s15], $0x2000  }
0x5b: {  	s31 =	smov.u32 s16;
	s30 =	sshra.s32 s0, $0x2;
	[sflag:s15] =	ssyncset.done $0x0  }
0x5c: {  	s0 =	sadd.s32 $0x80, s30;
	[sflag:s15] =	ssyncadd.s32 $0xFFFFE000  }
0x5d: {  	[tilespmem:s21], [sflag:$0x2] =	stream.indirect.gather [spmem:s2], $0x40, s0, s20, $0xb8;
	[tilespmem:$0x1D000] =	vst v63  }
0x5e: {  	_ =	swait.ge [sflag:s22], $0x2000  }
0x5f: {  	[sflag:s22] =	ssyncset.done $0x0  }
0x60: {  	s1 =	sadd.s32 $0x2800, s30;
	[sflag:s22] =	ssyncadd.s32 $0xFFFFE000  }
0x61: {  	[spmem:s3] =	stream.indirect.scatter.add.f32 [tilespmem:s19], [sflag:$0x3], $0x40, s1, s20, $0xb8;
	[tilespmem:$0x1D000] =	vst v63  }
0x62: {  	_ =	swait.ge [sflag:s15], $0x2000  }
0x63: {  	[sflag:s15] =	ssyncset.done $0x0  }
0x64: {  	s16 =	sadd.s32 $0x100, s30;
	[sflag:s15] =	ssyncadd.s32 $0xFFFFE000  }
0x65: {  	[tilespmem:s19], [sflag:$0x1] =	stream.indirect.gather [spmem:s2], $0x40, s16, s20, $0xb8;
	[tilespmem:$0x1D000] =	vst v63  }
0x66: {  	_ =	swait.ge [sflag:s23], $0x2000  }
0x67: {  	[sflag:s23] =	ssyncset.done $0x0  }
0x68: {  	s31 =	sadd.s32 $0x2880, s30;
	[sflag:s23] =	ssyncadd.s32 $0xFFFFE000  }
0x69: {  	[spmem:s3] =	stream.indirect.scatter.add.f32 [tilespmem:s21], [sflag:$0x3], $0x40, s31, s20, $0xb8;
	[tilespmem:$0x1D000] =	vst v63  }
0x6a: {  	_ =	swait.ge [sflag:s15], $0x2000  }
0x6b: {  	[sflag:s15] =	ssyncset.done $0x0  }
0x6c: {  	[sflag:s15] =	ssyncadd.s32 $0xFFFFE000  }
0x6d: {  	[tilespmem:s21], [sflag:$0x2] =	stream.indirect.gather [spmem:s2], $0x40, s24, s20, $0xb8;
	[tilespmem:$0x1D000] =	vst v63  }
0x6e: {  	_ =	swait.ge [sflag:s22], $0x2000  }
0x6f: {  	[sflag:s22] =	ssyncset.done $0x0  }
0x70: {  	[sflag:s22] =	ssyncadd.s32 $0xFFFFE000  }
0x71: {  	[spmem:s3] =	stream.indirect.scatter.add.f32 [tilespmem:s19], [sflag:$0x3], $0x40, s26, s20, $0xb8;
	[tilespmem:$0x1D000] =	vst v63  }
0x72: {  	_ =	swait.ge [sflag:s15], $0x2000  }
0x73: {  	[sflag:s15] =	ssyncset.done $0x0  }
0x74: {  	[sflag:s15] =	ssyncadd.s32 $0xFFFFE000  }
0x75: {  	_ =	swait.ge [sflag:s23], $0x2000  }
0x76: {  	[sflag:s23] =	ssyncset.done $0x0  }
0x77: {  	[sflag:s23] =	ssyncadd.s32 $0xFFFFE000  }
0x78: {  	[spmem:s3] =	stream.indirect.scatter.add.f32 [tilespmem:s21], [sflag:$0x3], $0x40, s28, s20, $0xb8;
	[tilespmem:$0x1D000] =	vst v63  }
0x79: {  	_ =	swait.ge [sflag:s15], $0x2000  }
0x7a: {  	s29 =	sadd.s32 $0x1, s29;
	[sflag:s15] =	ssyncset.done $0x0  }
0x7b: {  	p0 =	sne.s32 s29, s10;
	[sflag:s15] =	ssyncadd.s32 $0xFFFFE000  }
.Ltmp2:
0x7c: {  	[bflag:$0x0] =	sbarrier.arrive $0xFFFF;
	(pc) =	sbr.rel @p0 .LBB2_1-.Ltmp2, $4  }
0x7d: {  	[hbm:s9], [sflag:s17] =	dma.local [spmem:s25], $0x1400  }
0x7e: {  	_ =	swait.ge [sflag:s15], $0x1400  }
0x7f: {  	[sflag:s15] =	ssyncset.done $0x0  }
0x80: {  	[sflag:s15] =	ssyncadd.s32 $0xFFFFEC00  }
0x81: {  	_ =	sfence.sel $0x180000  }
0x82: {  	[bflag:$0x0] =	sbarrier.arrive $0xFFFF  }
0x83: {  	_ =	strace $0x9000004A  }
0x84: {  	s0 =	stileid.u32;
	[bflag:$0x2] =	sbarrier.arrive $0xFFFF  }
0x85: {  	p0 =	sne.s32 s0, $0x0;
	s0 =	rddreg [dreg:$0x3]  }
0x86: {  	s0 =	sadd.s32 @!p0 $0x100000, s0  }
0x87: {  	[sflag:s0] =	ssyncadd.tile.s32 @!p0 $0x1;
	_ =	shalt  }
.Lfunc_end2:
_tile_overlayer_lowered:
.L_overlay_start_2:
0x88: {  	(tag) =	ssettag $0x2  }
0x89: {  	s0 =	rddreg [dreg:$0x0];
	s2 =	stileid.u32  }
0x8a: {  	s1 =	rddreg [dreg:$0x1];
	p0 =	sne.s32 s2, $0x0  }
0x8b: {  	s3 =	rddreg [dreg:$0x2];
	[bflag:$0x3] =	sbarrier.arrive $0xFFFF;
	s2 =	simm.s32 @!p0 $0x1C03  }
0x8c: {  	[timem:s3], [sflag:s2] =	dma.local @!p0 [hbm:s0], s1  }
0x8d: {  	s0 =	simm.s32 @!p0 $0x3  }
0x8e: {  	_ =	swait.ge @!p0 [sflag:s0], s1  }
0x8f: {  	s1 =	ssub.s32 @!p0 $0x0, s1;
	[sflag:s0] =	ssyncset.done @!p0 $0x0  }
0x90: {  	[sflag:s0] =	ssyncadd.s32 @!p0 s1  }
0x91: {  	[bflag:$0x3] =	sbarrier.arrive $0xFFFF  }
0x92: {  	_ =	shalt  }

// kernel: kernel.15.cloned.1.call-start
scs
__scs_entry_jumppad:
0x0: {  	(pc) =	sbr.rel $0x88, $3  }
0x1: {  	(tag) =	ssettag $0x0;
	lr =	simm.s32 $0x1  }
0x2: {  	[smem:$0x3F99] =	sst lr;
	_ =	strace $0xD0000000  }
0x3: {  	_ = 	snop  }
0x4: {  	_ = 	snop  }
0x5: {  	_ = 	snop  }
0x6: {  	_ = 	snop  }
0x7: {  	_ = 	snop  }
__scs_overlays_trampoline_lowered:
0x8: {  	[smem:$0x3FA8] =	sst s0  }
0x9: {  	[smem:$0x3FA9] =	sst s1  }
0xa: {  	[smem:$0x3FAA] =	sst s2  }
0xb: {  	[smem:$0x3FAB] =	sst s3  }
0xc: {  	[smem:$0x3FAC] =	sst s4  }
0xd: {  	[smem:$0x3FAD] =	sst s5  }
0xe: {  	[smem:$0x3FAE] =	sst s6  }
0xf: {  	[smem:$0x3FAF] =	sst s7  }
0x10: {  	[smem:$0x3FB0] =	sst s8  }
0x11: {  	[smem:$0x3FB1] =	sst s9;
	s0 =	simm.s32 @!p0 $0x0  }
0x12: {  	s1 =	sld [smem:$0x3F97];
	s0 =	simm.s32 @p0 $0x1  }
0x13: {  	[smem:$0x3FB2] =	sst s0;
	s0 =	simm.s32 @!p1 $0x0  }
0x14: {  	s2 =	sld [smem:$0x3F96];
	s0 =	simm.s32 @p1 $0x1  }
0x15: {  	[smem:$0x3FB3] =	sst s0;
	s0 =	simm.s32 @!p2 $0x0  }
0x16: {  	s3 =	sld [smem:$0x3FDB];
	s0 =	simm.s32 @p2 $0x1  }
0x17: {  	s4 =	simm.s32 $0x1BF5;
	[smem:$0x3FB5] =	sst s0  }
0x18: {  	s0 =	sld [smem:$0x3F98];
	_ =	swait.ge [sflag:s4], $0x0  }
0x19: {  	s7 =	sld [smem:$0x3F99]  }
0x1a: {  	s8 =	sadd.s32 $0xFFFFE003, lr  }
0x1b: {  	s9 =	sadd.s32 $0xFFFFFEF7, lr;
	s5 =	simm.s32 $0xFFFFFFFF;
	p2 =	slt.u32 s8, $0xFFFFF086  }
0x1c: {  	p1 =	slt.u32 s9, $0xF7A;
	s5 =	simm.s32 @!p2 $0x0  }
0x1d: {  	s5 =	simm.s32 @p1 $0x1;
	p0 =	seq.s32 s7, s2  }
0x1e: {  	s7 =	smul.u32 @!p0 $0xF7A, s2;
	p2 =	seq.s32 @!p0 s5, $0x0  }
0x1f: {  	s9 =	smul.u32 $0xF7A, s1;
	s8 =	simm.s32 @!p0 $0x1BF5;
	p2 =	por !p2, p0  }
0x20: {  	[sflag:s8] =	ssyncset.s32 @!p0 $0xFFFFF086;
	s6 =	sadd.s32 @!p0 s3, s7;
	s7 =	simm.s32 @!p0 $0x108  }
0x21: {  	s3 =	sadd.s32 s3, s9;
	s6 =	sadd.s32 @!p0 $0x88, s6;
	s7 =	simm.s32 @p2 $0x1082  }
0x22: {  	[simem:s7], [sflag:s8] =	dma.local @!p0 [hbm:s6], $0xF7A  }
0x23: {  	s9 =	sor.u32 $0xD0000000, s2;
	s6 =	simm.s32 $0x108;
	_ =	swait.ge @!p0 [sflag:s8], $0x0  }
0x24: {  	s3 =	sadd.s32 $0x88, s3;
	s6 =	simm.s32 @!p1 $0x1082;
	[sflag:s4] =	ssyncset.s32 $0xFFFFF086  }
0x25: {  	[simem:s6], [sflag:s4] =	dma.local [hbm:s3], $0xF7A  }
0x26: {  	[smem:$0x3F99] =	sst s1;
	(tag) =	ssettag s2;
	_ =	strace s9  }
0x27: {  	s1 =	sld [smem:$0x3FA9]  }
0x28: {  	s2 =	sld [smem:$0x3FAA]  }
0x29: {  	s4 =	sld [smem:$0x3FAC]  }
0x2a: {  	p0 =	seq.s32 s5, $0x0;
	s5 =	sld [smem:$0x3FAD]  }
0x2b: {  	s6 =	sld [smem:$0x3FAE]  }
0x2c: {  	s7 =	sld [smem:$0x3FAF]  }
0x2d: {  	s3 =	simm.s32 $0x108;
	s8 =	sld [smem:$0x3FB0]  }
0x2e: {  	s3 =	simm.s32 @!p0 $0x1082;
	s9 =	sld [smem:$0x3FB1]  }
0x2f: {  	lr =	sadd.s32 s0, s3;
	s0 =	sld [smem:$0x3FA8]  }
0x30: {  	s3 =	sld [smem:$0x3FAB]  }
0x31: {  	[smem:$0x3FB4] =	sst s10  }
0x32: {  	s10 =	sld [smem:$0x3FB2];
	_ =	sdelay $0x3  }
0x33: {  	p0 =	seq.s32 s10, $0x1;
	s10 =	sld [smem:$0x3FB4];
	_ =	sdelay $0x3  }
0x34: {  	[smem:$0x3FB4] =	sst s10  }
0x35: {  	s10 =	sld [smem:$0x3FB3];
	_ =	sdelay $0x3  }
0x36: {  	p1 =	seq.s32 s10, $0x1;
	s10 =	sld [smem:$0x3FB4];
	_ =	sdelay $0x3  }
0x37: {  	[smem:$0x3FB4] =	sst s10  }
0x38: {  	s10 =	sld [smem:$0x3FB5]  }
0x39: {  	_ = 	snop;
	(pc) =	sbr.ind lr, $3  }
0x3a: {  	_ = 	snop  }
0x3b: {  	_ = 	snop  }
0x3c: {  	p2 =	seq.s32 s10, $0x1;
	s10 =	sld [smem:$0x3FB4]  }
0x3d: {  	_ =	shalt  }
0x3e: {  	_ =	shalt  }
0x3f: {  	_ =	shalt  }
0x40: {  	_ =	shalt  }
0x41: {  	_ =	shalt  }
0x42: {  	_ =	shalt  }
0x43: {  	_ =	shalt  }
0x44: {  	_ =	shalt  }
0x45: {  	_ =	shalt  }
0x46: {  	_ =	shalt  }
0x47: {  	_ =	shalt  }
0x48: {  	_ =	shalt  }
0x49: {  	_ =	shalt  }
0x4a: {  	_ =	shalt  }
0x4b: {  	_ =	shalt  }
0x4c: {  	_ =	shalt  }
0x4d: {  	_ =	shalt  }
0x4e: {  	_ =	shalt  }
0x4f: {  	_ =	shalt  }
0x50: {  	_ =	shalt  }
0x51: {  	_ =	shalt  }
0x52: {  	_ =	shalt  }
0x53: {  	_ =	shalt  }
0x54: {  	_ =	shalt  }
0x55: {  	_ =	shalt  }
0x56: {  	_ =	shalt  }
0x57: {  	_ =	shalt  }
0x58: {  	_ =	shalt  }
0x59: {  	_ =	shalt  }
0x5a: {  	_ =	shalt  }
0x5b: {  	_ =	shalt  }
0x5c: {  	_ =	shalt  }
0x5d: {  	_ =	shalt  }
0x5e: {  	_ =	shalt  }
0x5f: {  	_ =	shalt  }
0x60: {  	_ =	shalt  }
0x61: {  	_ =	shalt  }
0x62: {  	_ =	shalt  }
0x63: {  	_ =	shalt  }
0x64: {  	_ =	shalt  }
0x65: {  	_ =	shalt  }
0x66: {  	_ =	shalt  }
0x67: {  	_ =	shalt  }
0x68: {  	_ =	shalt  }
0x69: {  	_ =	shalt  }
0x6a: {  	_ =	shalt  }
0x6b: {  	_ =	shalt  }
0x6c: {  	_ =	shalt  }
0x6d: {  	_ =	shalt  }
0x6e: {  	_ =	shalt  }
0x6f: {  	_ =	shalt  }
0x70: {  	_ =	shalt  }
0x71: {  	_ =	shalt  }
0x72: {  	_ =	shalt  }
0x73: {  	_ =	shalt  }
0x74: {  	_ =	shalt  }
0x75: {  	_ =	shalt  }
0x76: {  	_ =	shalt  }
0x77: {  	_ =	shalt  }
0x78: {  	_ =	shalt  }
0x79: {  	_ =	shalt  }
0x7a: {  	_ =	shalt  }
0x7b: {  	_ =	shalt  }
0x7c: {  	_ =	shalt  }
0x7d: {  	_ =	shalt  }
0x7e: {  	_ =	shalt  }
0x7f: {  	_ =	shalt  }
0x80: {  	_ =	shalt  }
0x81: {  	_ =	shalt  }
0x82: {  	_ =	shalt  }
0x83: {  	_ =	shalt  }
0x84: {  	_ =	shalt  }
0x85: {  	_ =	shalt  }
0x86: {  	_ =	shalt  }
0x87: {  	_ =	shalt  }
.Lfunc_end0:
.L_simem_size_0:
called_computation.2_lowered:
.L_overlay_start_0:
0x88: {  	s2 =	sld [smem:$0x3FD9]  }
0x89: {  	s3 =	sld [smem:$0x3FFE];
	_ =	sdelay $0x1  }
0x8a: {  	s1 =	srdreg.scid  }
0x8b: {  	s0 =	sand.u32 $0x1, s1  }
0x8c: {  	s16 =	sshll.u32 s0, $0xA;
	s2 =	sadd.s32 s3, s2  }
0x8d: {  	s2 =	sadd.s32 s2, s16  }
0x8e: {  	[smem:$0x3FC0] =	sst s2  }
0x8f: {  	_ = 	snop  }
0x90: {  	(tm) =	ssettm $0x1  }
0x91: {  	s17 =	sld [smem:$0x3FFB];
	_ =	sdelay $0x3  }
0x92: {  	_ =	strace s17  }
0x93: {  	s2 =	sld [smem:$0x3FFC];
	_ =	sdelay $0x3  }
0x94: {  	_ =	strace s2  }
0x95: {  	s2 =	sld [smem:$0x3FFD];
	_ =	sdelay $0x3  }
0x96: {  	_ =	strace s2  }
0x97: {  	_ =	strace $0x8FFFFFFF  }
0x98: {  	s18 =	sld [smem:$0x3FDB];
	_ =	sdelay $0x1  }
0x99: {  	s19 =	simm.s32 $_scs_section_size  }
0x9a: {  	s4 =	simm.s32 $_size__tile_overlayer_lowered;
	s5 =	simm.s32 $_tile_overlayer_lowered  }
0x9b: {  	s22 =	simm.s32 $0x1BFF;
	s21 =	sshll.u32 s5, $0x1;
	s2 =	sadd.s32 s19, s18  }
0x9c: {  	s6 =	simm.s32 $0x0;
	s20 =	sshll.u32 s4, $0x1;
	s4 =	sadd.s32 s21, s2  }
0x9d: {  	[timem:s6], [sflag:s22] =	dma.local [hbm:s4], s20  }
0x9e: {  	_ =	swait.ge [sflag:s22], s20  }
0x9f: {  	s3 =	ssub.s32 $0x0, s20;
	[sflag:s22] =	ssyncset.done $0x0  }
0xa0: {  	[sflag:s22] =	ssyncadd.s32 s3;
	_ =	sdelay $0x1  }
0xa1: {  	s23 =	simm.s32 $0x1B8B  }
0xa2: {  	_ =	swait.ge [sflag:s23], $0x1  }
0xa3: {  	[sflag:s23] =	ssyncset.done $0x0  }
0xa4: {  	s25 =	simm.s32 $0x1B8E;
	s24 =	sld [smem:$0x3FFE];
	[sflag:s23] =	ssyncadd.s32 $0xFFFFFFFF  }
0xa5: {  	s26 =	simm.s32 $execute0_lowered;
	[smem:$0x3FD2] =	sst s25  }
0xa6: {  	s4 =	sshll.u32 s26, $0x1;
	_ =	strace $0x8000004C;
	[dreg:$0x1] =	wrdreg $0xFFFFFFFF  }
0xa7: {  	s28 =	simm.s32 $_size_execute0_lowered;
	s2 =	sadd.s32 s2, s4;
	[dreg:$0x0] =	wrdreg $0x0  }
0xa8: {  	s4 =	sshll.u32 s28, $0x1;
	[dreg:$0x2] =	wrdreg s2  }
0xa9: {  	[dreg:$0x3] =	wrdreg s4  }
0xaa: {  	[dreg:$0x4] =	wrdreg $0xC0  }
0xab: {  	_ =	task [dreg:s6], $0x5FFFF  }
0xac: {  	[dreg:$0x1] =	wrdreg $0xFFFFFFFF  }
0xad: {  	[dreg:$0x0] =	wrdreg $0x60  }
0xae: {  	[dreg:$0x2] =	wrdreg s24  }
0xaf: {  	[dreg:$0x3] =	wrdreg $0xC0000  }
0xb0: {  	[dreg:$0x4] =	wrdreg $0x70000  }
0xb1: {  	[dreg:$0x5] =	wrdreg $0x9  }
0xb2: {  	_ =	task.clear_ibuf [dreg:s6], $0x6FFFF;
	_ =	strace $0x9000004C  }
0xb3: {  	s29 =	simm.s32 $0x9;
	_ =	strace $0x8000004E  }
0xb4: {  	_ =	swait.ge [sflag:s29], $0x1  }
0xb5: {  	[sflag:s29] =	ssyncadd.s32 $0xFFFFFFFF  }
0xb6: {  	_ =	strace $0x9000004E  }
0xb7: {  	_ =	sfence  }
0xb8: {  	s30 =	sld [smem:$0x0];
	_ =	sdelay $0x2  }
0xb9: {  	s31 =	sshll.u32 s1, $0xD;
	s1 =	sshrl.u32 s1, $0x2  }
0xba: {  	s3 =	sand.u32 $0x4000, s31;
	s1 =	sadd.s32 s1, s30  }
0xbb: {  	s0 =	sor.u32 s3, s0;
	s1 =	sshll.u32 s1, $0x11  }
0xbc: {  	s0 =	sor.u32 s1, s0  }
0xbd: {  	s0 =	sadd.s32 $0x8F2B, s0  }
0xbe: {  	[sflag:s0] =	ssyncadd.remote.s32 $0x1  }
0xbf: {  	_ =	sfence.sel $0xFFFF  }
0xc0: {  	[dreg:$0x0] =	wrdreg $0xFFFFFFFF;
	(pc) =	sbr.abs _section_cstart, $3  }
0xc1: {  	[dreg:$0x1] =	wrdreg $0xFFFFFFFF  }
0xc2: {  	_ =	task.clear_ibuf [dreg:s6], $0x2FFFF;
	_ =	strace $0x9FFFFFFF  }
0xc3: {  	(tm) =	ssettm $0x7FFFFFFF  }
tec
execute0_lowered:
.L_overlay_start_1:
0x0: {  	(tag) =	ssettag $0x1  }
0x1: {  	s0 =	srdreg.scid;
	s5 =	rddreg [dreg:$0x0]  }
0x2: {  	s2 =	rddreg [dreg:$0x1];
	s31 =	stileid.u32  }
0x3: {  	s3 =	rddreg [dreg:$0x2];
	s4 =	simm.s32 $0x0;
	s15 =	simm.s32 $0x3  }
0x4: {  	s19 =	simm.s32 $0x5000;
	s20 =	simm.s32 $0x80;
	s21 =	simm.s32 $0x6000  }
0x5: {  	s22 =	simm.s32 $0x1;
	s23 =	simm.s32 $0x2;
	s24 =	simm.s32 $0x2780  }
0x6: {  	s26 =	simm.s32 $0x4F00;
	s28 =	simm.s32 $0x4F80;
	s29 =	simm.s32 $0x0  }
0x7: {  	s6 =	sand.u32 $0x1, s0;
	s10 =	smul.u32 $0x5000, s31;
	[smem:$0x7FF] =	sst s4  }
0x8: {  	s12 =	smul.u32 $0x14000, s31;
	s17 =	sshll.u32 s31, $0x6;
	s1 =	sshll.u32 s6, $0x4  }
0x9: {  	s9 =	smul.u32 $0x50000, s6;
	_ =	strace $0x8000004D;
	s6 =	ssub.s32 $0x2, s6  }
0xa: {  	s17 =	sor.u32 $0x1C03, s17;
	s7 =	sor.u32 s31, s1;
	s8 =	sshrl.u32 s10, $0x3  }
0xb: {  	s11 =	sshrl.u32 s6, $0x1;
	s18 =	sadd.s32 s10, s2;
	s7 =	smul.u32 $0x2800, s7  }
0xc: {  	s12 =	sshrl.u32 s12, $0x2;
	s25 =	sadd.s32 s10, s3;
	s8 =	sadd.s32 s8, s5  }
0xd: {  	s9 =	sadd.s32 s10, s9;
	s11 =	ssub.s32 s6, s11;
	s7 =	sshrl.u32 s7, $0x3  }
0xe: {  	s18 =	sshrl.u32 s18, $0x3;
	s9 =	sshrl.u32 s9, $0x3;
	s7 =	sadd.s32 s7, s5  }
0xf: {  	s25 =	sshrl.u32 s25, $0x3;
	s9 =	sadd.s32 s9, s5;
	s5 =	sadd.s32 $0x66200, s7  }
0x10: {  	s6 =	sadd.s32 $0x70200, s7;
	s7 =	sadd.s32 $0x2200, s8;
	s8 =	sadd.s32 s12, s3  }
0x11: {  	s10 =	smax.u32 s11, $0x1;
	s9 =	sadd.s32 $0xC200, s9;
	s11 =	sadd.s32 $0x1000, s8  }
0x12: {  	v0 =	vimm.f32 $0.0e+00;
	s12 =	sadd.s32 $0x2000, s8;
	s13 =	sadd.s32 $0x3000, s8;
	s14 =	sadd.s32 $0x4000, s8  }
.LBB2_1:
0x13: {  	[tilespmem:s4], [sflag:$0x3] =	stream.linear.gather [hbm4b:s5+s4], $0x2800, $0x38;
	[tilespmem:$0x11000] =	vst v63  }
0x14: {  	_ =	swait.ge [sflag:s15], $0x2800  }
0x15: {  	[sflag:s15] =	ssyncset.done $0x0  }
0x16: {  	s0 =	simm.s32 $0x2800;
	[sflag:s15] =	ssyncadd.s32 $0xFFFFD800  }
0x17: {  	[tilespmem:s0], [sflag:$0x3] =	stream.linear.gather [hbm4b:s6+s4], $0x2800, $0x38;
	[tilespmem:$0x11000] =	vst v63  }
0x18: {  	_ =	swait.ge [sflag:s15], $0x2800  }
0x19: {  	[sflag:s15] =	ssyncset.done $0x0  }
0x1a: {  	[sflag:s15] =	ssyncadd.s32 $0xFFFFD800  }
0x1b: {  	[spmem:s18], [sflag:s17] =	dma.local [hbm:s7], $0xA00  }
0x1c: {  	_ =	swait.ge [sflag:s15], $0xA00  }
0x1d: {  	[sflag:s15] =	ssyncset.done $0x0  }
0x1e: {  	[sflag:s15] =	ssyncadd.s32 $0xFFFFF600  }
0x1f: {  	s30 =	simm.s32 $0x1;
	s31 =	simm.s32 $0x5000;
	[tilespmem:s19+$0x0] =	vst v0  }
.LBB2_2:
0x20: {  	p0 =	sne.s32 s30, $0xFF  }
.Ltmp0:
0x21: {  	_ = 	snop;
	(pc) =	sbr.rel @p0 .LBB2_2-.Ltmp0, $3  }
0x22: {  	_ =	sdelay $0x1  }
0x23: {  	s30 =	sadd.s32 $0x1, s30;
	s31 =	sadd.s32 $0x10, s31  }
0x24: {  	[tilespmem:s31+$0x0] =	vst v0  }
0x25: {  	[spmem:s8] =	stream.linear.scatter [tilespmem:s19], [sflag:$0x3], $0x1000, $0x38;
	[tilespmem:$0x11000] =	vst v63  }
0x26: {  	_ =	swait.ge [sflag:s15], $0x1000  }
0x27: {  	[sflag:s15] =	ssyncset.done $0x0  }
0x28: {  	[sflag:s15] =	ssyncadd.s32 $0xFFFFF000  }
0x29: {  	[spmem:s11] =	stream.linear.scatter [tilespmem:s19], [sflag:$0x3], $0x1000, $0x38;
	[tilespmem:$0x11000] =	vst v63  }
0x2a: {  	_ =	swait.ge [sflag:s15], $0x1000  }
0x2b: {  	[sflag:s15] =	ssyncset.done $0x0  }
0x2c: {  	[sflag:s15] =	ssyncadd.s32 $0xFFFFF000  }
0x2d: {  	[spmem:s12] =	stream.linear.scatter [tilespmem:s19], [sflag:$0x3], $0x1000, $0x38;
	[tilespmem:$0x11000] =	vst v63  }
0x2e: {  	_ =	swait.ge [sflag:s15], $0x1000  }
0x2f: {  	[sflag:s15] =	ssyncset.done $0x0  }
0x30: {  	[sflag:s15] =	ssyncadd.s32 $0xFFFFF000  }
0x31: {  	[spmem:s13] =	stream.linear.scatter [tilespmem:s19], [sflag:$0x3], $0x1000, $0x38;
	[tilespmem:$0x11000] =	vst v63  }
0x32: {  	_ =	swait.ge [sflag:s15], $0x1000  }
0x33: {  	[sflag:s15] =	ssyncset.done $0x0  }
0x34: {  	[sflag:s15] =	ssyncadd.s32 $0xFFFFF000  }
0x35: {  	[spmem:s14] =	stream.linear.scatter [tilespmem:s19], [sflag:$0x3], $0x1000, $0x38;
	[tilespmem:$0x11000] =	vst v63  }
0x36: {  	_ =	swait.ge [sflag:s15], $0x1000  }
0x37: {  	[sflag:s15] =	ssyncset.done $0x0  }
0x38: {  	[sflag:s15] =	ssyncadd.s32 $0xFFFFF000  }
0x39: {  	s30 =	simm.s32 $0x0;
	[bflag:$0x0] =	sbarrier.arrive $0xFFFF  }
0x3a: {  	[tilespmem:s19], [sflag:$0x1] =	stream.indirect.gather [spmem:s2], $0x20, s30, s20, $0xb8;
	[tilespmem:$0x11000] =	vst v63  }
0x3b: {  	s30 =	simm.s32 $0x80  }
0x3c: {  	[tilespmem:s21], [sflag:$0x2] =	stream.indirect.gather [spmem:s2], $0x20, s30, s20, $0xb8;
	[tilespmem:$0x11000] =	vst v63  }
0x3d: {  	_ =	swait.ge [sflag:s22], $0x1000  }
0x3e: {  	[sflag:s22] =	ssyncset.done $0x0  }
0x3f: {  	s30 =	simm.s32 $0x2800;
	[sflag:s22] =	ssyncadd.s32 $0xFFFFF000  }
0x40: {  	[spmem:s3] =	stream.indirect.scatter.add.f32 [tilespmem:s19], [sflag:$0x3], $0x20, s30, s20, $0xb8;
	[tilespmem:$0x11000] =	vst v63  }
0x41: {  	_ =	swait.ge [sflag:s15], $0x1000  }
0x42: {  	[sflag:s15] =	ssyncset.done $0x0  }
0x43: {  	s30 =	simm.s32 $0x100;
	[sflag:s15] =	ssyncadd.s32 $0xFFFFF000  }
0x44: {  	[tilespmem:s19], [sflag:$0x1] =	stream.indirect.gather [spmem:s2], $0x20, s30, s20, $0xb8;
	[tilespmem:$0x11000] =	vst v63  }
0x45: {  	_ =	swait.ge [sflag:s23], $0x1000  }
0x46: {  	[sflag:s23] =	ssyncset.done $0x0  }
0x47: {  	s30 =	simm.s32 $0x2880;
	[sflag:s23] =	ssyncadd.s32 $0xFFFFF000  }
0x48: {  	[spmem:s3] =	stream.indirect.scatter.add.f32 [tilespmem:s21], [sflag:$0x3], $0x20, s30, s20, $0xb8;
	[tilespmem:$0x11000] =	vst v63  }
0x49: {  	_ =	swait.ge [sflag:s15], $0x1000  }
0x4a: {  	s31 =	simm.s32 $0x800;
	s30 =	simm.s32 $0x100;
	[sflag:s15] =	ssyncset.done $0x0  }
.LBB2_4:
0x4b: {  	s1 =	sadd.s32 $0x80, s30  }
0x4c: {  	[sflag:s15] =	ssyncadd.s32 $0xFFFFF000;
	s0 =	smov.u32 s31;
	s16 =	sadd.s32 $0x400, s31  }
0x4d: {  	[tilespmem:s21], [sflag:$0x2] =	stream.indirect.gather [spmem:s2], $0x20, s1, s20, $0xb8;
	[tilespmem:$0x11000] =	vst v63  }
0x4e: {  	p0 =	sne.s32 s31, $0x9800;
	_ =	swait.ge [sflag:s22], $0x1000  }
0x4f: {  	[sflag:s22] =	ssyncset.done $0x0  }
0x50: {  	s1 =	sadd.s32 $0x2800, s30;
	[sflag:s22] =	ssyncadd.s32 $0xFFFFF000  }
0x51: {  	[spmem:s3] =	stream.indirect.scatter.add.f32 [tilespmem:s19], [sflag:$0x3], $0x20, s1, s20, $0xb8;
	[tilespmem:$0x11000] =	vst v63  }
0x52: {  	_ =	swait.ge [sflag:s15], $0x1000  }
0x53: {  	[sflag:s15] =	ssyncset.done $0x0  }
0x54: {  	s1 =	sadd.s32 $0x100, s30;
	[sflag:s15] =	ssyncadd.s32 $0xFFFFF000  }
0x55: {  	[tilespmem:s19], [sflag:$0x1] =	stream.indirect.gather [spmem:s2], $0x20, s1, s20, $0xb8;
	[tilespmem:$0x11000] =	vst v63  }
0x56: {  	_ =	swait.ge [sflag:s23], $0x1000  }
.Ltmp1:
0x57: {  	[sflag:s23] =	ssyncset.done $0x0;
	(pc) =	sbr.rel @p0 .LBB2_4-.Ltmp1, $4  }
0x58: {  	s1 =	sadd.s32 $0x2880, s30;
	[sflag:s23] =	ssyncadd.s32 $0xFFFFF000  }
0x59: {  	[spmem:s3] =	stream.indirect.scatter.add.f32 [tilespmem:s21], [sflag:$0x3], $0x20, s1, s20, $0xb8;
	[tilespmem:$0x11000] =	vst v63  }
0x5a: {  	_ =	swait.ge [sflag:s15], $0x1000  }
0x5b: {  	s31 =	smov.u32 s16;
	s30 =	sshra.s32 s0, $0x2;
	[sflag:s15] =	ssyncset.done $0x0  }
0x5c: {  	s0 =	sadd.s32 $0x80, s30;
	[sflag:s15] =	ssyncadd.s32 $0xFFFFF000  }
0x5d: {  	[tilespmem:s21], [sflag:$0x2] =	stream.indirect.gather [spmem:s2], $0x20, s0, s20, $0xb8;
	[tilespmem:$0x11000] =	vst v63  }
0x5e: {  	_ =	swait.ge [sflag:s22], $0x1000  }
0x5f: {  	[sflag:s22] =	ssyncset.done $0x0  }
0x60: {  	s1 =	sadd.s32 $0x2800, s30;
	[sflag:s22] =	ssyncadd.s32 $0xFFFFF000  }
0x61: {  	[spmem:s3] =	stream.indirect.scatter.add.f32 [tilespmem:s19], [sflag:$0x3], $0x20, s1, s20, $0xb8;
	[tilespmem:$0x11000] =	vst v63  }
0x62: {  	_ =	swait.ge [sflag:s15], $0x1000  }
0x63: {  	[sflag:s15] =	ssyncset.done $0x0  }
0x64: {  	s16 =	sadd.s32 $0x100, s30;
	[sflag:s15] =	ssyncadd.s32 $0xFFFFF000  }
0x65: {  	[tilespmem:s19], [sflag:$0x1] =	stream.indirect.gather [spmem:s2], $0x20, s16, s20, $0xb8;
	[tilespmem:$0x11000] =	vst v63  }
0x66: {  	_ =	swait.ge [sflag:s23], $0x1000  }
0x67: {  	[sflag:s23] =	ssyncset.done $0x0  }
0x68: {  	s31 =	sadd.s32 $0x2880, s30;
	[sflag:s23] =	ssyncadd.s32 $0xFFFFF000  }
0x69: {  	[spmem:s3] =	stream.indirect.scatter.add.f32 [tilespmem:s21], [sflag:$0x3], $0x20, s31, s20, $0xb8;
	[tilespmem:$0x11000] =	vst v63  }
0x6a: {  	_ =	swait.ge [sflag:s15], $0x1000  }
0x6b: {  	[sflag:s15] =	ssyncset.done $0x0  }
0x6c: {  	[sflag:s15] =	ssyncadd.s32 $0xFFFFF000  }
0x6d: {  	[tilespmem:s21], [sflag:$0x2] =	stream.indirect.gather [spmem:s2], $0x20, s24, s20, $0xb8;
	[tilespmem:$0x11000] =	vst v63  }
0x6e: {  	_ =	swait.ge [sflag:s22], $0x1000  }
0x6f: {  	[sflag:s22] =	ssyncset.done $0x0  }
0x70: {  	[sflag:s22] =	ssyncadd.s32 $0xFFFFF000  }
0x71: {  	[spmem:s3] =	stream.indirect.scatter.add.f32 [tilespmem:s19], [sflag:$0x3], $0x20, s26, s20, $0xb8;
	[tilespmem:$0x11000] =	vst v63  }
0x72: {  	_ =	swait.ge [sflag:s15], $0x1000  }
0x73: {  	[sflag:s15] =	ssyncset.done $0x0  }
0x74: {  	[sflag:s15] =	ssyncadd.s32 $0xFFFFF000  }
0x75: {  	_ =	swait.ge [sflag:s23], $0x1000  }
0x76: {  	[sflag:s23] =	ssyncset.done $0x0  }
0x77: {  	[sflag:s23] =	ssyncadd.s32 $0xFFFFF000  }
0x78: {  	[spmem:s3] =	stream.indirect.scatter.add.f32 [tilespmem:s21], [sflag:$0x3], $0x20, s28, s20, $0xb8;
	[tilespmem:$0x11000] =	vst v63  }
0x79: {  	_ =	swait.ge [sflag:s15], $0x1000  }
0x7a: {  	s29 =	sadd.s32 $0x1, s29;
	[sflag:s15] =	ssyncset.done $0x0  }
0x7b: {  	p0 =	sne.s32 s29, s10;
	[sflag:s15] =	ssyncadd.s32 $0xFFFFF000  }
.Ltmp2:
0x7c: {  	[bflag:$0x0] =	sbarrier.arrive $0xFFFF;
	(pc) =	sbr.rel @p0 .LBB2_1-.Ltmp2, $4  }
0x7d: {  	[hbm:s9], [sflag:s17] =	dma.local [spmem:s25], $0xA00  }
0x7e: {  	_ =	swait.ge [sflag:s15], $0xA00  }
0x7f: {  	[sflag:s15] =	ssyncset.done $0x0  }
0x80: {  	[sflag:s15] =	ssyncadd.s32 $0xFFFFF600  }
0x81: {  	_ =	sfence.sel $0x180000  }
0x82: {  	[bflag:$0x0] =	sbarrier.arrive $0xFFFF  }
0x83: {  	_ =	strace $0x9000004D  }
0x84: {  	s0 =	stileid.u32;
	[bflag:$0x2] =	sbarrier.arrive $0xFFFF  }
0x85: {  	p0 =	sne.s32 s0, $0x0;
	s0 =	rddreg [dreg:$0x3]  }
0x86: {  	s0 =	sadd.s32 @!p0 $0x100000, s0  }
0x87: {  	[sflag:s0] =	ssyncadd.tile.s32 @!p0 $0x1;
	_ =	shalt  }
.Lfunc_end2:
_tile_overlayer_lowered:
.L_overlay_start_2:
0x88: {  	(tag) =	ssettag $0x2  }
0x89: {  	s0 =	rddreg [dreg:$0x0];
	s2 =	stileid.u32  }
0x8a: {  	s1 =	rddreg [dreg:$0x1];
	p0 =	sne.s32 s2, $0x0  }
0x8b: {  	s3 =	rddreg [dreg:$0x2];
	[bflag:$0x3] =	sbarrier.arrive $0xFFFF;
	s2 =	simm.s32 @!p0 $0x1C03  }
0x8c: {  	[timem:s3], [sflag:s2] =	dma.local @!p0 [hbm:s0], s1  }
0x8d: {  	s0 =	simm.s32 @!p0 $0x3  }
0x8e: {  	_ =	swait.ge @!p0 [sflag:s0], s1  }
0x8f: {  	s1 =	ssub.s32 @!p0 $0x0, s1;
	[sflag:s0] =	ssyncset.done @!p0 $0x0  }
0x90: {  	[sflag:s0] =	ssyncadd.s32 @!p0 s1  }
0x91: {  	[bflag:$0x3] =	sbarrier.arrive $0xFFFF  }
0x92: {  	_ =	shalt  }

// kernel: kernel.9.cloned.1.call-start
scs
__scs_entry_jumppad:
0x0: {  	(pc) =	sbr.rel $0x88, $3  }
0x1: {  	(tag) =	ssettag $0x0;
	lr =	simm.s32 $0x1  }
0x2: {  	[smem:$0x3F99] =	sst lr;
	_ =	strace $0xD0000000  }
0x3: {  	_ = 	snop  }
0x4: {  	_ = 	snop  }
0x5: {  	_ = 	snop  }
0x6: {  	_ = 	snop  }
0x7: {  	_ = 	snop  }
__scs_overlays_trampoline_lowered:
0x8: {  	[smem:$0x3FA8] =	sst s0  }
0x9: {  	[smem:$0x3FA9] =	sst s1  }
0xa: {  	[smem:$0x3FAA] =	sst s2  }
0xb: {  	[smem:$0x3FAB] =	sst s3  }
0xc: {  	[smem:$0x3FAC] =	sst s4  }
0xd: {  	[smem:$0x3FAD] =	sst s5  }
0xe: {  	[smem:$0x3FAE] =	sst s6  }
0xf: {  	[smem:$0x3FAF] =	sst s7  }
0x10: {  	[smem:$0x3FB0] =	sst s8  }
0x11: {  	[smem:$0x3FB1] =	sst s9;
	s0 =	simm.s32 @!p0 $0x0  }
0x12: {  	s1 =	sld [smem:$0x3F97];
	s0 =	simm.s32 @p0 $0x1  }
0x13: {  	[smem:$0x3FB2] =	sst s0;
	s0 =	simm.s32 @!p1 $0x0  }
0x14: {  	s2 =	sld [smem:$0x3F96];
	s0 =	simm.s32 @p1 $0x1  }
0x15: {  	[smem:$0x3FB3] =	sst s0;
	s0 =	simm.s32 @!p2 $0x0  }
0x16: {  	s3 =	sld [smem:$0x3FDB];
	s0 =	simm.s32 @p2 $0x1  }
0x17: {  	s4 =	simm.s32 $0x1BF5;
	[smem:$0x3FB5] =	sst s0  }
0x18: {  	s0 =	sld [smem:$0x3F98];
	_ =	swait.ge [sflag:s4], $0x0  }
0x19: {  	s7 =	sld [smem:$0x3F99]  }
0x1a: {  	s8 =	sadd.s32 $0xFFFFE003, lr  }
0x1b: {  	s9 =	sadd.s32 $0xFFFFFEF7, lr;
	s5 =	simm.s32 $0xFFFFFFFF;
	p2 =	slt.u32 s8, $0xFFFFF086  }
0x1c: {  	p1 =	slt.u32 s9, $0xF7A;
	s5 =	simm.s32 @!p2 $0x0  }
0x1d: {  	s5 =	simm.s32 @p1 $0x1;
	p0 =	seq.s32 s7, s2  }
0x1e: {  	s7 =	smul.u32 @!p0 $0xF7A, s2;
	p2 =	seq.s32 @!p0 s5, $0x0  }
0x1f: {  	s9 =	smul.u32 $0xF7A, s1;
	s8 =	simm.s32 @!p0 $0x1BF5;
	p2 =	por !p2, p0  }
0x20: {  	[sflag:s8] =	ssyncset.s32 @!p0 $0xFFFFF086;
	s6 =	sadd.s32 @!p0 s3, s7;
	s7 =	simm.s32 @!p0 $0x108  }
0x21: {  	s3 =	sadd.s32 s3, s9;
	s6 =	sadd.s32 @!p0 $0x88, s6;
	s7 =	simm.s32 @p2 $0x1082  }
0x22: {  	[simem:s7], [sflag:s8] =	dma.local @!p0 [hbm:s6], $0xF7A  }
0x23: {  	s9 =	sor.u32 $0xD0000000, s2;
	s6 =	simm.s32 $0x108;
	_ =	swait.ge @!p0 [sflag:s8], $0x0  }
0x24: {  	s3 =	sadd.s32 $0x88, s3;
	s6 =	simm.s32 @!p1 $0x1082;
	[sflag:s4] =	ssyncset.s32 $0xFFFFF086  }
0x25: {  	[simem:s6], [sflag:s4] =	dma.local [hbm:s3], $0xF7A  }
0x26: {  	[smem:$0x3F99] =	sst s1;
	(tag) =	ssettag s2;
	_ =	strace s9  }
0x27: {  	s1 =	sld [smem:$0x3FA9]  }
0x28: {  	s2 =	sld [smem:$0x3FAA]  }
0x29: {  	s4 =	sld [smem:$0x3FAC]  }
0x2a: {  	p0 =	seq.s32 s5, $0x0;
	s5 =	sld [smem:$0x3FAD]  }
0x2b: {  	s6 =	sld [smem:$0x3FAE]  }
0x2c: {  	s7 =	sld [smem:$0x3FAF]  }
0x2d: {  	s3 =	simm.s32 $0x108;
	s8 =	sld [smem:$0x3FB0]  }
0x2e: {  	s3 =	simm.s32 @!p0 $0x1082;
	s9 =	sld [smem:$0x3FB1]  }
0x2f: {  	lr =	sadd.s32 s0, s3;
	s0 =	sld [smem:$0x3FA8]  }
0x30: {  	s3 =	sld [smem:$0x3FAB]  }
0x31: {  	[smem:$0x3FB4] =	sst s10  }
0x32: {  	s10 =	sld [smem:$0x3FB2];
	_ =	sdelay $0x3  }
0x33: {  	p0 =	seq.s32 s10, $0x1;
	s10 =	sld [smem:$0x3FB4];
	_ =	sdelay $0x3  }
0x34: {  	[smem:$0x3FB4] =	sst s10  }
0x35: {  	s10 =	sld [smem:$0x3FB3];
	_ =	sdelay $0x3  }
0x36: {  	p1 =	seq.s32 s10, $0x1;
	s10 =	sld [smem:$0x3FB4];
	_ =	sdelay $0x3  }
0x37: {  	[smem:$0x3FB4] =	sst s10  }
0x38: {  	s10 =	sld [smem:$0x3FB5]  }
0x39: {  	_ = 	snop;
	(pc) =	sbr.ind lr, $3  }
0x3a: {  	_ = 	snop  }
0x3b: {  	_ = 	snop  }
0x3c: {  	p2 =	seq.s32 s10, $0x1;
	s10 =	sld [smem:$0x3FB4]  }
0x3d: {  	_ =	shalt  }
0x3e: {  	_ =	shalt  }
0x3f: {  	_ =	shalt  }
0x40: {  	_ =	shalt  }
0x41: {  	_ =	shalt  }
0x42: {  	_ =	shalt  }
0x43: {  	_ =	shalt  }
0x44: {  	_ =	shalt  }
0x45: {  	_ =	shalt  }
0x46: {  	_ =	shalt  }
0x47: {  	_ =	shalt  }
0x48: {  	_ =	shalt  }
0x49: {  	_ =	shalt  }
0x4a: {  	_ =	shalt  }
0x4b: {  	_ =	shalt  }
0x4c: {  	_ =	shalt  }
0x4d: {  	_ =	shalt  }
0x4e: {  	_ =	shalt  }
0x4f: {  	_ =	shalt  }
0x50: {  	_ =	shalt  }
0x51: {  	_ =	shalt  }
0x52: {  	_ =	shalt  }
0x53: {  	_ =	shalt  }
0x54: {  	_ =	shalt  }
0x55: {  	_ =	shalt  }
0x56: {  	_ =	shalt  }
0x57: {  	_ =	shalt  }
0x58: {  	_ =	shalt  }
0x59: {  	_ =	shalt  }
0x5a: {  	_ =	shalt  }
0x5b: {  	_ =	shalt  }
0x5c: {  	_ =	shalt  }
0x5d: {  	_ =	shalt  }
0x5e: {  	_ =	shalt  }
0x5f: {  	_ =	shalt  }
0x60: {  	_ =	shalt  }
0x61: {  	_ =	shalt  }
0x62: {  	_ =	shalt  }
0x63: {  	_ =	shalt  }
0x64: {  	_ =	shalt  }
0x65: {  	_ =	shalt  }
0x66: {  	_ =	shalt  }
0x67: {  	_ =	shalt  }
0x68: {  	_ =	shalt  }
0x69: {  	_ =	shalt  }
0x6a: {  	_ =	shalt  }
0x6b: {  	_ =	shalt  }
0x6c: {  	_ =	shalt  }
0x6d: {  	_ =	shalt  }
0x6e: {  	_ =	shalt  }
0x6f: {  	_ =	shalt  }
0x70: {  	_ =	shalt  }
0x71: {  	_ =	shalt  }
0x72: {  	_ =	shalt  }
0x73: {  	_ =	shalt  }
0x74: {  	_ =	shalt  }
0x75: {  	_ =	shalt  }
0x76: {  	_ =	shalt  }
0x77: {  	_ =	shalt  }
0x78: {  	_ =	shalt  }
0x79: {  	_ =	shalt  }
0x7a: {  	_ =	shalt  }
0x7b: {  	_ =	shalt  }
0x7c: {  	_ =	shalt  }
0x7d: {  	_ =	shalt  }
0x7e: {  	_ =	shalt  }
0x7f: {  	_ =	shalt  }
0x80: {  	_ =	shalt  }
0x81: {  	_ =	shalt  }
0x82: {  	_ =	shalt  }
0x83: {  	_ =	shalt  }
0x84: {  	_ =	shalt  }
0x85: {  	_ =	shalt  }
0x86: {  	_ =	shalt  }
0x87: {  	_ =	shalt  }
.Lfunc_end0:
.L_simem_size_0:
called_computation_lowered:
.L_overlay_start_0:
0x88: {  	s2 =	sld [smem:$0x3FD9]  }
0x89: {  	s3 =	sld [smem:$0x3FFE];
	_ =	sdelay $0x1  }
0x8a: {  	s1 =	srdreg.scid  }
0x8b: {  	s0 =	sand.u32 $0x1, s1  }
0x8c: {  	s16 =	sshll.u32 s0, $0xA;
	s2 =	sadd.s32 s3, s2  }
0x8d: {  	s2 =	sadd.s32 s2, s16  }
0x8e: {  	[smem:$0x3FC0] =	sst s2  }
0x8f: {  	_ = 	snop  }
0x90: {  	(tm) =	ssettm $0x1  }
0x91: {  	s17 =	sld [smem:$0x3FFB];
	_ =	sdelay $0x3  }
0x92: {  	_ =	strace s17  }
0x93: {  	s2 =	sld [smem:$0x3FFC];
	_ =	sdelay $0x3  }
0x94: {  	_ =	strace s2  }
0x95: {  	s2 =	sld [smem:$0x3FFD];
	_ =	sdelay $0x3  }
0x96: {  	_ =	strace s2  }
0x97: {  	_ =	strace $0x8FFFFFFF  }
0x98: {  	s18 =	sld [smem:$0x3FDB];
	_ =	sdelay $0x1  }
0x99: {  	s19 =	simm.s32 $_scs_section_size  }
0x9a: {  	s4 =	simm.s32 $_size__tile_overlayer_lowered;
	s5 =	simm.s32 $_tile_overlayer_lowered  }
0x9b: {  	s22 =	simm.s32 $0x1BFF;
	s21 =	sshll.u32 s5, $0x1;
	s2 =	sadd.s32 s19, s18  }
0x9c: {  	s6 =	simm.s32 $0x0;
	s20 =	sshll.u32 s4, $0x1;
	s4 =	sadd.s32 s21, s2  }
0x9d: {  	[timem:s6], [sflag:s22] =	dma.local [hbm:s4], s20  }
0x9e: {  	_ =	swait.ge [sflag:s22], s20  }
0x9f: {  	s3 =	ssub.s32 $0x0, s20;
	[sflag:s22] =	ssyncset.done $0x0  }
0xa0: {  	[sflag:s22] =	ssyncadd.s32 s3;
	_ =	sdelay $0x1  }
0xa1: {  	s23 =	simm.s32 $0x1B8B  }
0xa2: {  	_ =	swait.ge [sflag:s23], $0x1  }
0xa3: {  	[sflag:s23] =	ssyncset.done $0x0  }
0xa4: {  	s25 =	simm.s32 $0x1B8E;
	s24 =	sld [smem:$0x3FFE];
	[sflag:s23] =	ssyncadd.s32 $0xFFFFFFFF  }
0xa5: {  	s26 =	simm.s32 $execute0_lowered;
	[smem:$0x3FD2] =	sst s25  }
0xa6: {  	s4 =	sshll.u32 s26, $0x1;
	_ =	strace $0x80000046;
	[dreg:$0x1] =	wrdreg $0xFFFFFFFF  }
0xa7: {  	s28 =	simm.s32 $_size_execute0_lowered;
	s2 =	sadd.s32 s2, s4;
	[dreg:$0x0] =	wrdreg $0x0  }
0xa8: {  	s4 =	sshll.u32 s28, $0x1;
	[dreg:$0x2] =	wrdreg s2  }
0xa9: {  	[dreg:$0x3] =	wrdreg s4  }
0xaa: {  	[dreg:$0x4] =	wrdreg $0xC0  }
0xab: {  	_ =	task [dreg:s6], $0x5FFFF  }
0xac: {  	[dreg:$0x1] =	wrdreg $0xFFFFFFFF  }
0xad: {  	[dreg:$0x0] =	wrdreg $0x60  }
0xae: {  	[dreg:$0x2] =	wrdreg s24  }
0xaf: {  	[dreg:$0x3] =	wrdreg $0x68000  }
0xb0: {  	[dreg:$0x4] =	wrdreg $0x9  }
0xb1: {  	_ =	task.clear_ibuf [dreg:s6], $0x5FFFF;
	_ =	strace $0x90000046  }
0xb2: {  	s29 =	simm.s32 $0x9;
	_ =	strace $0x80000048  }
0xb3: {  	_ =	swait.ge [sflag:s29], $0x1  }
0xb4: {  	[sflag:s29] =	ssyncadd.s32 $0xFFFFFFFF  }
0xb5: {  	_ =	strace $0x90000048  }
0xb6: {  	_ =	sfence  }
0xb7: {  	s30 =	sld [smem:$0x0];
	_ =	sdelay $0x2  }
0xb8: {  	s31 =	sshll.u32 s1, $0xD;
	s1 =	sshrl.u32 s1, $0x2  }
0xb9: {  	s3 =	sand.u32 $0x4000, s31;
	s1 =	sadd.s32 s1, s30  }
0xba: {  	s0 =	sor.u32 s3, s0;
	s1 =	sshll.u32 s1, $0x11  }
0xbb: {  	s0 =	sor.u32 s1, s0  }
0xbc: {  	s0 =	sadd.s32 $0x8F2B, s0  }
0xbd: {  	[sflag:s0] =	ssyncadd.remote.s32 $0x1  }
0xbe: {  	_ =	sfence.sel $0xFFFF  }
0xbf: {  	[dreg:$0x0] =	wrdreg $0xFFFFFFFF;
	(pc) =	sbr.abs _section_cstart, $3  }
0xc0: {  	[dreg:$0x1] =	wrdreg $0xFFFFFFFF  }
0xc1: {  	_ =	task.clear_ibuf [dreg:s6], $0x2FFFF;
	_ =	strace $0x9FFFFFFF  }
0xc2: {  	(tm) =	ssettm $0x7FFFFFFF  }
0xc3: {  	_ =	shalt  }
tec
execute0_lowered:
.L_overlay_start_1:
0x0: {  	(tag) =	ssettag $0x1  }
0x1: {  	s4 =	rddreg [dreg:$0x0]  }
0x2: {  	s2 =	rddreg [dreg:$0x1];
	s1 =	srdreg.scid  }
0x3: {  	s0 =	rddreg [dreg:$0x2];
	s3 =	simm.s32 $0x0;
	s12 =	simm.s32 $0x1  }
0x4: {  	s13 =	simm.s32 $0x2800;
	s14 =	simm.s32 $0x80;
	s5 =	sand.u32 $0x1, s1  }
0x5: {  	s17 =	simm.s32 $0x0;
	s1 =	stileid.u32;
	s6 =	smul.u32 $0x140000, s5  }
0x6: {  	[smem:$0x7FF] =	sst s3;
	s7 =	smul.u32 $0x14000, s1;
	s8 =	sshll.u32 s5, $0x4  }
0x7: {  	_ =	strace $0x80000047;
	s5 =	ssub.s32 $0x2, s5;
	s30 =	smul.u32 $0x50000, s1  }
0x8: {  	s15 =	sshll.u32 s1, $0x6;
	s8 =	sor.u32 s1, s8;
	s9 =	sshrl.u32 s5, $0x1  }
0x9: {  	s15 =	sor.u32 $0x1C01, s15;
	s6 =	sadd.s32 s7, s6;
	s29 =	smul.u32 $0x2800, s8  }
0xa: {  	s9 =	ssub.s32 s5, s9;
	s31 =	sshrl.u32 s30, $0x2;
	s6 =	sshrl.u32 s6, $0x3  }
0xb: {  	s5 =	sadd.s32 s31, s2;
	s6 =	sadd.s32 s6, s4;
	s7 =	sshrl.u32 s29, $0x3  }
0xc: {  	s8 =	sadd.s32 $0x4000, s5;
	s10 =	sadd.s32 $0xC000, s5;
	s11 =	sadd.s32 $0x10000, s5  }
0xd: {  	s16 =	sshrl.u32 s5, $0x3;
	s4 =	sadd.s32 s4, s7;
	s6 =	sadd.s32 $0x16200, s6  }
0xe: {  	v0 =	vimm.f32 $0.0e+00;
	v1 =	vimm.f32 $1.000000000e+00;
	s7 =	smax.u32 s9, $0x1;
	s9 =	sadd.s32 $0x8000, s5;
	s4 =	sadd.s32 $0xC200, s4  }
.LBB2_1:
0xf: {  	[tilespmem:s3], [sflag:$0x1] =	stream.linear.gather [hbm4b:s4+s3], $0x2800, $0x38;
	[tilespmem:$0x9000] =	vst v63  }
0x10: {  	_ =	swait.ge [sflag:s12], $0x2800  }
0x11: {  	[sflag:s12] =	ssyncset.done $0x0  }
0x12: {  	s18 =	simm.s32 $0x200;
	s19 =	simm.s32 $0x0;
	[sflag:s12] =	ssyncadd.s32 $0xFFFFD800  }
.LBB2_2:
0x13: {  	p0 =	sne.s32 s18, $0xFE00;
	[tilespmem:s19+$0x2800] =	vst v0;
	s19 =	smov.u32 s18;
	s18 =	sadd.s32 $0x200, s18  }
.Ltmp0:
0x14: {  	(pc) =	sbr.rel @p0 .LBB2_2-.Ltmp0, $2  }
0x15: {  	_ =	sdelay $0x2  }
0x16: {  	s19 =	sshra.s32 s19, $0x2  }
0x17: {  	[tilespmem:s19+$0x2800] =	vst v0  }
0x18: {  	[spmem:s5] =	stream.linear.scatter [tilespmem:s13], [sflag:$0x1], $0x4000, $0x38;
	[tilespmem:$0x9000] =	vst v63  }
0x19: {  	_ =	swait.ge [sflag:s12], $0x4000  }
0x1a: {  	[sflag:s12] =	ssyncset.done $0x0  }
0x1b: {  	[sflag:s12] =	ssyncadd.s32 $0xFFFFC000  }
0x1c: {  	[spmem:s8] =	stream.linear.scatter [tilespmem:s13], [sflag:$0x1], $0x4000, $0x38;
	[tilespmem:$0x9000] =	vst v63  }
0x1d: {  	_ =	swait.ge [sflag:s12], $0x4000  }
0x1e: {  	[sflag:s12] =	ssyncset.done $0x0  }
0x1f: {  	[sflag:s12] =	ssyncadd.s32 $0xFFFFC000  }
0x20: {  	[spmem:s9] =	stream.linear.scatter [tilespmem:s13], [sflag:$0x1], $0x4000, $0x38;
	[tilespmem:$0x9000] =	vst v63  }
0x21: {  	_ =	swait.ge [sflag:s12], $0x4000  }
0x22: {  	[sflag:s12] =	ssyncset.done $0x0  }
0x23: {  	[sflag:s12] =	ssyncadd.s32 $0xFFFFC000  }
0x24: {  	[spmem:s10] =	stream.linear.scatter [tilespmem:s13], [sflag:$0x1], $0x4000, $0x38;
	[tilespmem:$0x9000] =	vst v63  }
0x25: {  	_ =	swait.ge [sflag:s12], $0x4000  }
0x26: {  	[sflag:s12] =	ssyncset.done $0x0  }
0x27: {  	[sflag:s12] =	ssyncadd.s32 $0xFFFFC000  }
0x28: {  	[spmem:s11] =	stream.linear.scatter [tilespmem:s13], [sflag:$0x1], $0x4000, $0x38;
	[tilespmem:$0x9000] =	vst v63  }
0x29: {  	_ =	swait.ge [sflag:s12], $0x4000  }
0x2a: {  	[sflag:s12] =	ssyncset.done $0x0  }
0x2b: {  	s18 =	simm.s32 $0x200;
	s19 =	simm.s32 $0x0;
	[sflag:s12] =	ssyncadd.s32 $0xFFFFC000  }
.LBB2_4:
0x2c: {  	p0 =	sne.s32 s18, $0xFE00;
	[tilespmem:s19+$0x2800] =	vst v1;
	s19 =	smov.u32 s18;
	s18 =	sadd.s32 $0x200, s18  }
.Ltmp1:
0x2d: {  	(pc) =	sbr.rel @p0 .LBB2_4-.Ltmp1, $2  }
0x2e: {  	_ =	sdelay $0x2  }
0x2f: {  	s19 =	sshra.s32 s19, $0x2  }
0x30: {  	[tilespmem:s19+$0x2800] =	vst v1  }
0x31: {  	s18 =	simm.s32 $0x0;
	[bflag:$0x0] =	sbarrier.arrive $0xFFFF  }
0x32: {  	[spmem:s2] =	stream.indirect.scatter.add.f32 [tilespmem:s13], [sflag:$0x1], $0x10, s18, s14, $0xb8;
	[tilespmem:$0x9000] =	vst v63  }
0x33: {  	_ =	swait.ge [sflag:s12], $0x800  }
0x34: {  	s18 =	simm.s32 $0x200;
	[sflag:s12] =	ssyncset.done $0x0  }
.LBB2_6:
0x35: {  	s19 =	sshra.s32 s18, $0x2;
	[sflag:s12] =	ssyncadd.s32 $0xFFFFF800;
	p0 =	sne.s32 s18, $0x9E00  }
0x36: {  	[spmem:s2] =	stream.indirect.scatter.add.f32 [tilespmem:s13], [sflag:$0x1], $0x10, s19, s14, $0xb8;
	[tilespmem:$0x9000] =	vst v63  }
.Ltmp2:
0x37: {  	_ = 	snop;
	(pc) =	sbr.rel @p0 .LBB2_6-.Ltmp2, $4  }
0x38: {  	_ = 	snop  }
0x39: {  	s18 =	sadd.s32 $0x200, s18  }
0x3a: {  	_ =	swait.ge [sflag:s12], $0x800  }
0x3b: {  	[sflag:s12] =	ssyncset.done $0x0  }
0x3c: {  	s17 =	sadd.s32 $0x1, s17  }
0x3d: {  	[sflag:s12] =	ssyncadd.s32 $0xFFFFF800;
	p0 =	sne.s32 s17, s7  }
.Ltmp3:
0x3e: {  	[bflag:$0x0] =	sbarrier.arrive $0xFFFF;
	(pc) =	sbr.rel @p0 .LBB2_1-.Ltmp3, $4  }
0x3f: {  	[hbm:s6], [sflag:s15] =	dma.local [spmem:s16], $0x2800  }
0x40: {  	_ =	swait.ge [sflag:s12], $0x2800  }
0x41: {  	[sflag:s12] =	ssyncset.done $0x0  }
0x42: {  	[sflag:s12] =	ssyncadd.s32 $0xFFFFD800  }
0x43: {  	_ =	sfence.sel $0x180000  }
0x44: {  	[bflag:$0x0] =	sbarrier.arrive $0xFFFF  }
0x45: {  	p0 =	sne.s32 s1, $0x0;
	_ =	strace $0x90000047  }
0x46: {  	s0 =	sadd.s32 @!p0 $0x100000, s0;
	[bflag:$0x2] =	sbarrier.arrive $0xFFFF  }
0x47: {  	[sflag:s0] =	ssyncadd.tile.s32 @!p0 $0x1;
	_ =	shalt  }
.Lfunc_end2:
_tile_overlayer_lowered:
.L_overlay_start_2:
0x48: {  	(tag) =	ssettag $0x2  }
0x49: {  	s0 =	rddreg [dreg:$0x0];
	s2 =	stileid.u32  }
0x4a: {  	s1 =	rddreg [dreg:$0x1];
	p0 =	sne.s32 s2, $0x0  }
0x4b: {  	s3 =	rddreg [dreg:$0x2];
	[bflag:$0x3] =	sbarrier.arrive $0xFFFF;
	s2 =	simm.s32 @!p0 $0x1C01  }
0x4c: {  	[timem:s3], [sflag:s2] =	dma.local @!p0 [hbm:s0], s1  }
0x4d: {  	s0 =	simm.s32 @!p0 $0x1  }
0x4e: {  	_ =	swait.ge @!p0 [sflag:s0], s1  }
0x4f: {  	s1 =	ssub.s32 @!p0 $0x0, s1;
	[sflag:s0] =	ssyncset.done @!p0 $0x0  }
0x50: {  	[sflag:s0] =	ssyncadd.s32 @!p0 s1  }
0x51: {  	[bflag:$0x3] =	sbarrier.arrive $0xFFFF  }
0x52: {  	_ =	shalt  }

</sc_bundles>
